<compile_context>
chip_gen: v7x
topology: tpu7x:2x2x1
jax: 0.10.2.dev20260603
libtpu: 0.0.44.dev20260713+nightly
codegen_flags: <defaults>
</compile_context>

<pallas_src>
import functools

import jax
import jax.numpy as jnp
from jax import lax
from jax.experimental import pallas as pl
from jax.experimental.pallas import tpu as pltpu
from jax.experimental.pallas import tpu_sc as plsc

VOCAB = 1000000
DIM = 64
SEQ = 16384

NC = 2
NS = 16
NW = NC * NS
N_FULL_COLS = VOCAB // 128
N_COLS = N_FULL_COLS + 1
B_PER_W = SEQ // NW
RB = 6
SR = 8
N_VREG = SEQ // 16
DUMP = SEQ
OUTP_ROWS = SEQ + 16


def _scan_body(
    idx_hbm,
    wt_hbm,
    tail_hbm,
    outp_hbm,
    ids_v,
    own_k,
    own_p,
    colbuf,
    stg,
    ribuf,
    csem,
    ssem,
):
    wid = lax.axis_index("s") * NC + lax.axis_index("c")
    n_cols = (N_COLS // NW) + jnp.where(wid < N_COLS % NW, 1, 0)
    pltpu.sync_copy(idx_hbm, ids_v)
    iota16 = lax.iota(jnp.int32, 16)

    def pre(vg, nacc):
        iv = ids_v[pl.ds(vg * 16, 16)]
        col = iv >> 7
        m = (col & (NW - 1)) == wid
        c = plsc.all_reduce_population_count(m)[0]

        @pl.when(c > 0)
        def _():
            pos = nacc + plsc.cumsum(m.astype(jnp.int32)) - 1
            plsc.store_scatter(own_k, [pos], col >> 5, mask=m)
            packed = ((iv & 127) << 14) + (vg * 16 + iota16)
            plsc.store_scatter(own_p, [pos], packed, mask=m)

        return nacc + c

    nacc = lax.fori_loop(0, N_VREG, pre, 0)
    n_own_vregs = (nacc + 15) >> 4
    plsc.store_scatter(
        own_k,
        [jnp.minimum(nacc + iota16, SEQ - 1)],
        jnp.full((16,), -1, jnp.int32),
        mask=(nacc + iota16) < (n_own_vregs << 4),
    )

    def fire_col(k, slot):
        col = wid + k * NW

        @pl.when(col < N_FULL_COLS)
        def _():
            c0 = pl.multiple_of(col * 128, 128)
            pltpu.async_copy(
                wt_hbm.at[:, pl.ds(c0, 128)], colbuf.at[slot], csem.at[slot]
            )

        @pl.when(col >= N_FULL_COLS)
        def _():
            pltpu.async_copy(tail_hbm, colbuf.at[slot], csem.at[slot])

    for s in range(RB):
        fire_col(s, s)

    def col_body(k, mcnt):
        slot = lax.rem(k, RB)
        pltpu.make_async_copy(
            wt_hbm.at[:, pl.ds(0, 128)], colbuf.at[slot], csem.at[slot]
        ).wait()

        def vreg_body(vg, mcnt):
            kv = own_k[pl.ds(vg * 16, 16)]
            m = kv == k
            cnt = plsc.all_reduce_population_count(m)[0]

            @pl.when(cnt > 0)
            def _():
                r = mcnt & 15
                q = mcnt >> 4
                e = q + jnp.where(r > 0, 1, 0)
                entered = (r == 0) | ((r + cnt) >= 17)

                @pl.when(entered & (e >= SR))
                def _():
                    pltpu.make_async_copy(
                        stg.at[0],
                        outp_hbm.at[pl.ds(0, 16), :],
                        ssem.at[e & (SR - 1)],
                    ).wait()

                pv = own_p[pl.ds(vg * 16, 16)]
                lanes = pv >> 14
                bv = pv & (SEQ - 1)
                pos = plsc.cumsum(m.astype(jnp.int32)) - 1
                posg = mcnt + pos
                sv = (posg >> 4) & (SR - 1)
                rv = posg & 15
                plsc.store_scatter(ribuf, [sv, rv], bv, mask=m)

                def one_match(j, mm):
                    ffs = plsc.all_reduce_ffs(mm)
                    lane = jnp.sum(jnp.where(iota16 == ffs, lanes, 0))
                    pg = mcnt + j
                    svj = jnp.full((16,), (pg >> 4) & (SR - 1), jnp.int32)
                    rvj = jnp.full((16,), pg & 15, jnp.int32)
                    for cb in range(DIM // 16):
                        cvec = iota16 + cb * 16
                        vals = plsc.load_gather(
                            colbuf,
                            [
                                jnp.full((16,), slot, jnp.int32),
                                cvec,
                                jnp.full((16,), lane, jnp.int32),
                            ],
                        )
                        plsc.store_scatter(stg, [svj, rvj, cvec], vals)
                    return mm & (iota16 != ffs)

                lax.fori_loop(0, cnt, one_match, m)

                @pl.when((r + cnt) >= 16)
                def _():
                    qs = q & (SR - 1)
                    pltpu.async_copy(
                        stg.at[qs],
                        outp_hbm.at[ribuf.at[qs]],
                        ssem.at[qs],
                    )

            return mcnt + cnt

        mcnt = lax.fori_loop(0, n_own_vregs, vreg_body, mcnt)

        @pl.when(k + RB < n_cols)
        def _():
            fire_col(k + RB, slot)

        return mcnt

    mcnt = lax.fori_loop(0, n_cols, col_body, 0)

    r_f = mcnt & 15
    q_f = mcnt >> 4

    @pl.when(r_f > 0)
    def _():
        qs = q_f & (SR - 1)
        plsc.store_scatter(
            ribuf,
            [jnp.full((16,), qs, jnp.int32), iota16],
            jnp.full((16,), DUMP, jnp.int32) + iota16,
            mask=iota16 >= r_f,
        )
        pltpu.async_copy(
            stg.at[qs], outp_hbm.at[ribuf.at[qs]], ssem.at[qs]
        )

    total = q_f + jnp.where(r_f > 0, 1, 0)

    def drain(s, carry):
        @pl.when(s < jnp.minimum(total, SR))
        def _():
            pltpu.make_async_copy(
                stg.at[0], outp_hbm.at[pl.ds(0, 16), :], ssem.at[s]
            ).wait()

        return carry

    lax.fori_loop(0, SR, drain, 0)


def _tr_body(outp_hbm, out_hbm, inbuf, trows, wsem):
    wid = lax.axis_index("s") * NC + lax.axis_index("c")
    b0 = pl.multiple_of(wid * B_PER_W, B_PER_W)
    pltpu.sync_copy(outp_hbm.at[pl.ds(b0, B_PER_W), :], inbuf)
    iota16 = lax.iota(jnp.int32, 16)

    def tr(t, carry):
        c = t >> 5
        bb = t & 31
        vals = plsc.load_gather(
            inbuf, [iota16 + bb * 16, jnp.full((16,), c, jnp.int32)]
        )
        trows[pl.ds(c * B_PER_W + bb * 16, 16)] = vals
        return carry

    lax.fori_loop(0, DIM * (B_PER_W // 16), tr, 0)

    def put(c, carry):
        dst = pl.multiple_of(c * SEQ + b0, B_PER_W)
        pltpu.async_copy(
            trows.at[pl.ds(c * B_PER_W, B_PER_W)],
            out_hbm.at[pl.ds(dst, B_PER_W)],
            wsem,
        )
        return carry

    lax.fori_loop(0, DIM, put, 0)
    pltpu.make_async_copy(
        trows, out_hbm.at[pl.ds(0, DIM * B_PER_W)], wsem
    ).wait()


def _scan(idx, wt, tail):
    mesh = plsc.VectorSubcoreMesh(core_axis_name="c", subcore_axis_name="s")
    f = functools.partial(
        pl.kernel,
        mesh=mesh,
        out_type=jax.ShapeDtypeStruct((OUTP_ROWS, 128), jnp.float32),
        scratch_types=[
            pltpu.VMEM((SEQ,), jnp.int32),
            pltpu.VMEM((SEQ,), jnp.int32),
            pltpu.VMEM((SEQ,), jnp.int32),
            pltpu.VMEM((RB, DIM, 128), jnp.float32),
            pltpu.VMEM((SR, 16, 128), jnp.float32),
            pltpu.VMEM((SR, 16), jnp.int32),
            pltpu.SemaphoreType.DMA((RB,)),
            pltpu.SemaphoreType.DMA((SR,)),
        ],
        compiler_params=pltpu.CompilerParams(needs_layout_passes=False),
    )(_scan_body)
    return f(idx, wt, tail)


def _transpose(outp):
    mesh = plsc.VectorSubcoreMesh(core_axis_name="c", subcore_axis_name="s")
    f = functools.partial(
        pl.kernel,
        mesh=mesh,
        out_type=jax.ShapeDtypeStruct((DIM * SEQ,), jnp.float32),
        scratch_types=[
            pltpu.VMEM((B_PER_W, 128), jnp.float32),
            pltpu.VMEM((DIM * B_PER_W,), jnp.float32),
            pltpu.SemaphoreType.DMA,
        ],
        compiler_params=pltpu.CompilerParams(needs_layout_passes=False),
    )(_tr_body)
    return f(outp)


def kernel(input_ids, weight):
    idx = input_ids.reshape(SEQ).astype(jnp.int32)
    wt = weight.T
    tail = jnp.pad(wt[:, N_FULL_COLS * 128 :], ((0, 0), (0, 128 - VOCAB % 128)))
    outp = _scan(idx, wt, tail)
    flat = _transpose(outp)
    return flat.reshape(DIM, SEQ).T.reshape(SEQ, DIM, 1, 1)

# --- scband reference (transcript-rebuilt; emitter-appended) ---
"""Pipeline reference for scband-multi-code-embedder-wrapper-65884798320662 (READ-ONLY COPY).

The authoritative reference and input builder live on the scoring server;
editing this copy changes nothing except your own understanding.
"""

import jax, jax.numpy as jnp
import numpy as np

VOCAB = 1000000  # 8 codebooks x 125000 rows, concatenated along dim 0
DIM = 64
SEQ = 16384


def setup_inputs(seed: int = 0) -> dict:
    key = jax.random.key(seed)
    k_w, k_i = jax.random.split(key)
    # concatenated codec embedding table (equivalent of torch.cat([e.weight ...], dim=0))
    weight = jax.random.normal(k_w, (VOCAB, DIM), dtype=jnp.float32)
    input_ids = jax.random.randint(k_i, (1, 1, SEQ), 0, VOCAB, dtype=jnp.int64)
    return {"input_ids": input_ids, "weight": weight}


def reference(input_ids, weight):
    # nn.Embedding lookup: gather rows of the concatenated table
    emb = jnp.take(weight, input_ids, axis=0)  # [1, 1, SEQ, DIM]
    # emb.squeeze(0).squeeze(0).unsqueeze(-1).unsqueeze(-1)
    out = jnp.squeeze(emb, axis=0)
    out = jnp.squeeze(out, axis=0)
    out = out[..., None, None]  # [SEQ, DIM, 1, 1]
    return out

if __name__ == "__main__":
    import jax
    _d = setup_inputs()
    print(jax.jit(kernel)(*tuple(_d.values())))

</pallas_src>

<mosaic_0001>
#map = affine_map<(d0, d1) -> (0)>
#map1 = affine_map<(d0, d1) -> (0, 0)>
module attributes {stable_mosaic.version = 14 : i64} {
  func.func @_scan_body(%arg0: i32, %arg1: i32, %arg2: memref<16384xi32, #tpu.memory_space<hbm>>, %arg3: memref<64x1000000xf32, #tpu.memory_space<hbm>>, %arg4: memref<64x128xf32, #tpu.memory_space<hbm>>, %arg5: memref<16400x128xf32, #tpu.memory_space<hbm>>, %arg6: memref<16384xi32, #tpu.memory_space<vmem>>, %arg7: memref<16384xi32, #tpu.memory_space<vmem>>, %arg8: memref<16384xi32, #tpu.memory_space<vmem>>, %arg9: memref<6x64x128xf32, #tpu.memory_space<vmem>>, %arg10: memref<8x16x128xf32, #tpu.memory_space<vmem>>, %arg11: memref<8x16xi32, #tpu.memory_space<vmem>>, %arg12: memref<6x!tpu.dma_semaphore, #tpu.memory_space<semaphore_mem>>, %arg13: memref<8x!tpu.dma_semaphore, #tpu.memory_space<semaphore_mem>>) attributes {dimension_semantics = [#tpu.dimension_semantics<core_parallel>, #tpu.dimension_semantics<subcore_parallel>], iteration_bounds = array<i64: 2, 16>, scalar_prefetch = 0 : i64, scratch_operands = 8 : i64, tpu.core_type = #tpu.core_type<sc_vector_subcore>, window_params = [{transform_indices = #map}, {transform_indices = #map1}, {transform_indices = #map1}, {transform_indices = #map1}]} {
    %mul3A = arith.constant 2 : i32
    %mul3A_0 = arith.muli %arg1, %mul3A : i32
    %add3A = arith.addi %mul3A_0, %arg0 : i32
    %lt3A = arith.constant 5 : i32
    %lt3A_1 = arith.cmpi slt, %add3A, %lt3A : i32
    %jit3A = arith.constant 1 : i32
    %jit3A_2 = arith.constant 0 : i32
    %select_n3A = arith.select %lt3A_1, %jit3A, %jit3A_2 : i32
    %add3A_3 = arith.constant 244 : i32
    %add3A_4 = arith.addi %add3A_3, %select_n3A : i32
    "tpu.region"() ({
      %run_scoped3A = tpu.sem_alloc : memref<!tpu.dma_semaphore, #tpu.memory_space<semaphore_mem>>
      tpu.enqueue_dma source(%arg2 : memref<16384xi32, #tpu.memory_space<hbm>>) target(%arg6 : memref<16384xi32, #tpu.memory_space<vmem>>) target_semaphore(%run_scoped3A : memref<!tpu.dma_semaphore, #tpu.memory_space<semaphore_mem>>)
      tpu.wait_dma2 semaphore(%run_scoped3A : memref<!tpu.dma_semaphore, #tpu.memory_space<semaphore_mem>>) src(%arg2 : memref<16384xi32, #tpu.memory_space<hbm>>) dst(%arg6 : memref<16384xi32, #tpu.memory_space<vmem>>)
      tpu.yield
    }) : () -> ()
    %iota3A = tpu.iota {dimensions = array<i32: 0>} : vector<16xi32>
    %scan3A = arith.constant 0 : i32
    %scan3A_5 = arith.constant 0 : i32
    %scan3A_6 = arith.constant 1024 : i32
    %scan3A_7 = arith.addi %scan3A_5, %scan3A_6 : i32
    %scan3A_8 = arith.constant 1 : i32
    %scan3A_9 = scf.for %scan3A_123 = %scan3A_5 to %scan3A_7 step %scan3A_8 iter_args(%scan3A_124 = %scan3A) -> (i32)  : i32 {
      %mul3A_125 = arith.constant 16 : i32
      %mul3A_126 = arith.muli %scan3A_123, %mul3A_125 : i32
      %get3A = arith.index_cast %mul3A_126 : i32 to index
      %get3A_127 = tpu.vector_load %arg6[%get3A] {strides = array<i32>} : memref<16384xi32, #tpu.memory_space<vmem>>, vector<16xi32>,
      %shift_right_arithmetic3A_128 = arith.constant 7 : i32
      %shift_right_arithmetic3A_129 = vector.broadcast %shift_right_arithmetic3A_128 : i32 to vector<16xi32>
      %shift_right_arithmetic3A_130 = arith.shrsi %get3A_127, %shift_right_arithmetic3A_129 : vector<16xi32>
      %and3A_131 = arith.constant 31 : i32
      %and3A_132 = vector.broadcast %and3A_131 : i32 to vector<16xi32>
      %and3A_133 = arith.andi %shift_right_arithmetic3A_130, %and3A_132 : vector<16xi32>
      %eq3A = vector.broadcast %add3A : i32 to vector<16xi32>
      %eq3A_134 = arith.cmpi eq, %and3A_133, %eq3A : vector<16xi32>
      %all_reduce_population_count3A = tpu.all_reduce %eq3A_134 {dim = 0 : i64, kind = #tpu.reduction_kind<sum>} : vector<16xi1> -> vector<16xi32>
      %slice3A = vector.extract_strided_slice %all_reduce_population_count3A {offsets = [0], sizes = [1], strides = [1]} : vector<16xi32> to vector<1xi32>
      %squeeze3A = vector.extract %slice3A[0] : i32 from vector<1xi32>
      %gt3A_135 = arith.constant 0 : i32
      %gt3A_136 = arith.cmpi sgt, %squeeze3A, %gt3A_135 : i32
      %convert_element_type3A_137 = arith.extui %gt3A_136 : i1 to i32
      %cond3A_138 = arith.constant 0 : i32
      %cond3A_139 = arith.cmpi ne, %convert_element_type3A_137, %cond3A_138 : i32
      scf.if %cond3A_139 {
        %convert_element_type3A_141 = arith.extui %eq3A_134 : vector<16xi1> to vector<16xi32>
        %broadcast_in_dim3A_142 = arith.constant true
        %broadcast_in_dim3A_143 = vector.broadcast %broadcast_in_dim3A_142 : i1 to vector<16xi1>
        %masked_cumsum3A = tpu.scan <sum>, %convert_element_type3A_141 masked %broadcast_in_dim3A_143 : vector<16xi32>, vector<16xi1> -> vector<16xi32>
        %add3A_144 = vector.broadcast %scan3A_124 : i32 to vector<16xi32>
        %add3A_145 = arith.addi %add3A_144, %masked_cumsum3A : vector<16xi32>
        %sub3A = arith.constant 1 : i32
        %sub3A_146 = vector.broadcast %sub3A : i32 to vector<16xi32>
        %sub3A_147 = arith.subi %add3A_145, %sub3A_146 : vector<16xi32>
        %shift_right_arithmetic3A_148 = arith.constant 5 : i32
        %shift_right_arithmetic3A_149 = vector.broadcast %shift_right_arithmetic3A_148 : i32 to vector<16xi32>
        %shift_right_arithmetic3A_150 = arith.shrsi %shift_right_arithmetic3A_130, %shift_right_arithmetic3A_149 : vector<16xi32>
        tpu.vector_store_idx %arg7[%sub3A_147], %shift_right_arithmetic3A_150 masked %eq3A_134 : memref<16384xi32, #tpu.memory_space<vmem>>[vector<16xi32>], vector<16xi32>, vector<16xi1>
        %and3A_151 = arith.constant 127 : i32
        %and3A_152 = vector.broadcast %and3A_151 : i32 to vector<16xi32>
        %and3A_153 = arith.andi %get3A_127, %and3A_152 : vector<16xi32>
        %shift_left3A_154 = arith.constant 14 : i32
        %shift_left3A_155 = vector.broadcast %shift_left3A_154 : i32 to vector<16xi32>
        %shift_left3A_156 = arith.shli %and3A_153, %shift_left3A_155 : vector<16xi32>
        %mul3A_157 = arith.constant 16 : i32
        %mul3A_158 = arith.muli %scan3A_123, %mul3A_157 : i32
        %add3A_159 = vector.broadcast %mul3A_158 : i32 to vector<16xi32>
        %add3A_160 = arith.addi %add3A_159, %iota3A : vector<16xi32>
        %add3A_161 = arith.addi %shift_left3A_156, %add3A_160 : vector<16xi32>
        tpu.vector_store_idx %arg8[%sub3A_147], %add3A_161 masked %eq3A_134 : memref<16384xi32, #tpu.memory_space<vmem>>[vector<16xi32>], vector<16xi32>, vector<16xi1>
      } else {
      }
      %add3A_140 = arith.addi %scan3A_124, %squeeze3A : i32
      scf.yield %add3A_140 : i32
    }
    %scan3A_10 = arith.constant 1024 : i32
    %add3A_11 = arith.constant 15 : i32
    %add3A_12 = arith.addi %scan3A_9, %add3A_11 : i32
    %shift_right_arithmetic3A = arith.constant 4 : i32
    %shift_right_arithmetic3A_13 = arith.shrsi %add3A_12, %shift_right_arithmetic3A : i32
    %add3A_14 = vector.broadcast %scan3A_9 : i32 to vector<16xi32>
    %add3A_15 = arith.addi %add3A_14, %iota3A : vector<16xi32>
    %min3A = arith.constant 16383 : i32
    %min3A_16 = vector.broadcast %min3A : i32 to vector<16xi32>
    %min3A_17 = arith.minsi %add3A_15, %min3A_16 : vector<16xi32>
    %broadcast_in_dim3A = arith.constant -1 : i32
    %broadcast_in_dim3A_18 = vector.broadcast %broadcast_in_dim3A : i32 to vector<16xi32>
    %add3A_19 = vector.broadcast %scan3A_9 : i32 to vector<16xi32>
    %add3A_20 = arith.addi %add3A_19, %iota3A : vector<16xi32>
    %shift_left3A = arith.constant 4 : i32
    %shift_left3A_21 = arith.shli %shift_right_arithmetic3A_13, %shift_left3A : i32
    %lt3A_22 = vector.broadcast %shift_left3A_21 : i32 to vector<16xi32>
    %lt3A_23 = arith.cmpi slt, %add3A_20, %lt3A_22 : vector<16xi32>
    tpu.vector_store_idx %arg7[%min3A_17], %broadcast_in_dim3A_18 masked %lt3A_23 : memref<16384xi32, #tpu.memory_space<vmem>>[vector<16xi32>], vector<16xi32>, vector<16xi1>
    %add3A_24 = arith.constant 0 : i32
    %add3A_25 = arith.addi %add3A, %add3A_24 : i32
    %lt3A_26 = arith.constant 7812 : i32
    %lt3A_27 = arith.cmpi slt, %add3A_25, %lt3A_26 : i32
    %convert_element_type3A = arith.extui %lt3A_27 : i1 to i32
    %cond3A = arith.constant 0 : i32
    %cond3A_28 = arith.cmpi ne, %convert_element_type3A, %cond3A : i32
    scf.if %cond3A_28 {
      %mul3A_123 = arith.constant 128 : i32
      %mul3A_124 = arith.muli %add3A_25, %mul3A_123 : i32
      %multiple_of3A = tpu.assume_multiple %mul3A_124, 128 : i32
      %dma_start3A = arith.constant 0 : i32
      %dma_start3A_125 = arith.constant 0 : i32
      %dma_start3A_126 = arith.constant 0 : i32
      %dma_start3A_127 = arith.constant 0 : i32
      %dma_start3A_128 = tpu.memref_slice %arg9[%dma_start3A, %dma_start3A_126, %dma_start3A_127] : memref<6x64x128xf32, #tpu.memory_space<vmem>> -> memref<1x64x128xf32, #tpu.memory_space<vmem>>
      %dma_start3A_129 = tpu.memref_squeeze %dma_start3A_128 : memref<1x64x128xf32, #tpu.memory_space<vmem>> -> memref<64x128xf32, #tpu.memory_space<vmem>>
      %dma_start3A_130 = arith.constant 0 : i32
      %dma_start3A_131 = tpu.memref_slice %arg3[%dma_start3A_130, %multiple_of3A] : memref<64x1000000xf32, #tpu.memory_space<hbm>> -> memref<64x128xf32, #tpu.memory_space<hbm>>
      %dma_start3A_132 = tpu.memref_slice %arg12[%dma_start3A_125] : memref<6x!tpu.dma_semaphore, #tpu.memory_space<semaphore_mem>> -> memref<1x!tpu.dma_semaphore, #tpu.memory_space<semaphore_mem>>
      %dma_start3A_133 = tpu.memref_squeeze %dma_start3A_132 : memref<1x!tpu.dma_semaphore, #tpu.memory_space<semaphore_mem>> -> memref<!tpu.dma_semaphore, #tpu.memory_space<semaphore_mem>>
      %dma_start3A_134 = arith.constant 0 : i32
      %dma_start3A_135 = arith.constant 0 : i32
      %dma_start3A_136 = tpu.memref_slice %arg9[%dma_start3A, %dma_start3A_134, %dma_start3A_135] : memref<6x64x128xf32, #tpu.memory_space<vmem>> -> memref<1x64x128xf32, #tpu.memory_space<vmem>>
      %dma_start3A_137 = tpu.memref_squeeze %dma_start3A_136 : memref<1x64x128xf32, #tpu.memory_space<vmem>> -> memref<64x128xf32, #tpu.memory_space<vmem>>
      %dma_start3A_138 = arith.constant 0 : i32
      %dma_start3A_139 = tpu.memref_slice %arg3[%dma_start3A_138, %multiple_of3A] : memref<64x1000000xf32, #tpu.memory_space<hbm>> -> memref<64x128xf32, #tpu.memory_space<hbm>>
      tpu.enqueue_dma source(%dma_start3A_139 : memref<64x128xf32, #tpu.memory_space<hbm>>) target(%dma_start3A_137 : memref<64x128xf32, #tpu.memory_space<vmem>>) target_semaphore(%dma_start3A_133 : memref<!tpu.dma_semaphore, #tpu.memory_space<semaphore_mem>>)
    } else {
    }
    %ge3A = arith.constant 7812 : i32
    %ge3A_29 = arith.cmpi sge, %add3A_25, %ge3A : i32
    %convert_element_type3A_30 = arith.extui %ge3A_29 : i1 to i32
    %cond3A_31 = arith.constant 0 : i32
    %cond3A_32 = arith.cmpi ne, %convert_element_type3A_30, %cond3A_31 : i32
    scf.if %cond3A_32 {
      %dma_start3A = arith.constant 0 : i32
      %dma_start3A_123 = arith.constant 0 : i32
      %dma_start3A_124 = arith.constant 0 : i32
      %dma_start3A_125 = arith.constant 0 : i32
      %dma_start3A_126 = tpu.memref_slice %arg9[%dma_start3A, %dma_start3A_124, %dma_start3A_125] : memref<6x64x128xf32, #tpu.memory_space<vmem>> -> memref<1x64x128xf32, #tpu.memory_space<vmem>>
      %dma_start3A_127 = tpu.memref_squeeze %dma_start3A_126 : memref<1x64x128xf32, #tpu.memory_space<vmem>> -> memref<64x128xf32, #tpu.memory_space<vmem>>
      %dma_start3A_128 = tpu.memref_slice %arg12[%dma_start3A_123] : memref<6x!tpu.dma_semaphore, #tpu.memory_space<semaphore_mem>> -> memref<1x!tpu.dma_semaphore, #tpu.memory_space<semaphore_mem>>
      %dma_start3A_129 = tpu.memref_squeeze %dma_start3A_128 : memref<1x!tpu.dma_semaphore, #tpu.memory_space<semaphore_mem>> -> memref<!tpu.dma_semaphore, #tpu.memory_space<semaphore_mem>>
      %dma_start3A_130 = arith.constant 0 : i32
      %dma_start3A_131 = arith.constant 0 : i32
      %dma_start3A_132 = tpu.memref_slice %arg9[%dma_start3A, %dma_start3A_130, %dma_start3A_131] : memref<6x64x128xf32, #tpu.memory_space<vmem>> -> memref<1x64x128xf32, #tpu.memory_space<vmem>>
      %dma_start3A_133 = tpu.memref_squeeze %dma_start3A_132 : memref<1x64x128xf32, #tpu.memory_space<vmem>> -> memref<64x128xf32, #tpu.memory_space<vmem>>
      tpu.enqueue_dma source(%arg4 : memref<64x128xf32, #tpu.memory_space<hbm>>) target(%dma_start3A_133 : memref<64x128xf32, #tpu.memory_space<vmem>>) target_semaphore(%dma_start3A_129 : memref<!tpu.dma_semaphore, #tpu.memory_space<semaphore_mem>>)
    } else {
    }
    %add3A_33 = arith.constant 32 : i32
    %add3A_34 = arith.addi %add3A, %add3A_33 : i32
    %lt3A_35 = arith.constant 7812 : i32
    %lt3A_36 = arith.cmpi slt, %add3A_34, %lt3A_35 : i32
    %convert_element_type3A_37 = arith.extui %lt3A_36 : i1 to i32
    %cond3A_38 = arith.constant 0 : i32
    %cond3A_39 = arith.cmpi ne, %convert_element_type3A_37, %cond3A_38 : i32
    scf.if %cond3A_39 {
      %mul3A_123 = arith.constant 128 : i32
      %mul3A_124 = arith.muli %add3A_34, %mul3A_123 : i32
      %multiple_of3A = tpu.assume_multiple %mul3A_124, 128 : i32
      %dma_start3A = arith.constant 1 : i32
      %dma_start3A_125 = arith.constant 1 : i32
      %dma_start3A_126 = arith.constant 0 : i32
      %dma_start3A_127 = arith.constant 0 : i32
      %dma_start3A_128 = tpu.memref_slice %arg9[%dma_start3A, %dma_start3A_126, %dma_start3A_127] : memref<6x64x128xf32, #tpu.memory_space<vmem>> -> memref<1x64x128xf32, #tpu.memory_space<vmem>>
      %dma_start3A_129 = tpu.memref_squeeze %dma_start3A_128 : memref<1x64x128xf32, #tpu.memory_space<vmem>> -> memref<64x128xf32, #tpu.memory_space<vmem>>
      %dma_start3A_130 = arith.constant 0 : i32
      %dma_start3A_131 = tpu.memref_slice %arg3[%dma_start3A_130, %multiple_of3A] : memref<64x1000000xf32, #tpu.memory_space<hbm>> -> memref<64x128xf32, #tpu.memory_space<hbm>>
      %dma_start3A_132 = tpu.memref_slice %arg12[%dma_start3A_125] : memref<6x!tpu.dma_semaphore, #tpu.memory_space<semaphore_mem>> -> memref<1x!tpu.dma_semaphore, #tpu.memory_space<semaphore_mem>>
      %dma_start3A_133 = tpu.memref_squeeze %dma_start3A_132 : memref<1x!tpu.dma_semaphore, #tpu.memory_space<semaphore_mem>> -> memref<!tpu.dma_semaphore, #tpu.memory_space<semaphore_mem>>
      %dma_start3A_134 = arith.constant 0 : i32
      %dma_start3A_135 = arith.constant 0 : i32
      %dma_start3A_136 = tpu.memref_slice %arg9[%dma_start3A, %dma_start3A_134, %dma_start3A_135] : memref<6x64x128xf32, #tpu.memory_space<vmem>> -> memref<1x64x128xf32, #tpu.memory_space<vmem>>
      %dma_start3A_137 = tpu.memref_squeeze %dma_start3A_136 : memref<1x64x128xf32, #tpu.memory_space<vmem>> -> memref<64x128xf32, #tpu.memory_space<vmem>>
      %dma_start3A_138 = arith.constant 0 : i32
      %dma_start3A_139 = tpu.memref_slice %arg3[%dma_start3A_138, %multiple_of3A] : memref<64x1000000xf32, #tpu.memory_space<hbm>> -> memref<64x128xf32, #tpu.memory_space<hbm>>
      tpu.enqueue_dma source(%dma_start3A_139 : memref<64x128xf32, #tpu.memory_space<hbm>>) target(%dma_start3A_137 : memref<64x128xf32, #tpu.memory_space<vmem>>) target_semaphore(%dma_start3A_133 : memref<!tpu.dma_semaphore, #tpu.memory_space<semaphore_mem>>)
    } else {
    }
    %ge3A_40 = arith.constant 7812 : i32
    %ge3A_41 = arith.cmpi sge, %add3A_34, %ge3A_40 : i32
    %convert_element_type3A_42 = arith.extui %ge3A_41 : i1 to i32
    %cond3A_43 = arith.constant 0 : i32
    %cond3A_44 = arith.cmpi ne, %convert_element_type3A_42, %cond3A_43 : i32
    scf.if %cond3A_44 {
      %dma_start3A = arith.constant 1 : i32
      %dma_start3A_123 = arith.constant 1 : i32
      %dma_start3A_124 = arith.constant 0 : i32
      %dma_start3A_125 = arith.constant 0 : i32
      %dma_start3A_126 = tpu.memref_slice %arg9[%dma_start3A, %dma_start3A_124, %dma_start3A_125] : memref<6x64x128xf32, #tpu.memory_space<vmem>> -> memref<1x64x128xf32, #tpu.memory_space<vmem>>
      %dma_start3A_127 = tpu.memref_squeeze %dma_start3A_126 : memref<1x64x128xf32, #tpu.memory_space<vmem>> -> memref<64x128xf32, #tpu.memory_space<vmem>>
      %dma_start3A_128 = tpu.memref_slice %arg12[%dma_start3A_123] : memref<6x!tpu.dma_semaphore, #tpu.memory_space<semaphore_mem>> -> memref<1x!tpu.dma_semaphore, #tpu.memory_space<semaphore_mem>>
      %dma_start3A_129 = tpu.memref_squeeze %dma_start3A_128 : memref<1x!tpu.dma_semaphore, #tpu.memory_space<semaphore_mem>> -> memref<!tpu.dma_semaphore, #tpu.memory_space<semaphore_mem>>
      %dma_start3A_130 = arith.constant 0 : i32
      %dma_start3A_131 = arith.constant 0 : i32
      %dma_start3A_132 = tpu.memref_slice %arg9[%dma_start3A, %dma_start3A_130, %dma_start3A_131] : memref<6x64x128xf32, #tpu.memory_space<vmem>> -> memref<1x64x128xf32, #tpu.memory_space<vmem>>
      %dma_start3A_133 = tpu.memref_squeeze %dma_start3A_132 : memref<1x64x128xf32, #tpu.memory_space<vmem>> -> memref<64x128xf32, #tpu.memory_space<vmem>>
      tpu.enqueue_dma source(%arg4 : memref<64x128xf32, #tpu.memory_space<hbm>>) target(%dma_start3A_133 : memref<64x128xf32, #tpu.memory_space<vmem>>) target_semaphore(%dma_start3A_129 : memref<!tpu.dma_semaphore, #tpu.memory_space<semaphore_mem>>)
    } else {
    }
    %add3A_45 = arith.constant 64 : i32
    %add3A_46 = arith.addi %add3A, %add3A_45 : i32
    %lt3A_47 = arith.constant 7812 : i32
    %lt3A_48 = arith.cmpi slt, %add3A_46, %lt3A_47 : i32
    %convert_element_type3A_49 = arith.extui %lt3A_48 : i1 to i32
    %cond3A_50 = arith.constant 0 : i32
    %cond3A_51 = arith.cmpi ne, %convert_element_type3A_49, %cond3A_50 : i32
    scf.if %cond3A_51 {
      %mul3A_123 = arith.constant 128 : i32
      %mul3A_124 = arith.muli %add3A_46, %mul3A_123 : i32
      %multiple_of3A = tpu.assume_multiple %mul3A_124, 128 : i32
      %dma_start3A = arith.constant 2 : i32
      %dma_start3A_125 = arith.constant 2 : i32
      %dma_start3A_126 = arith.constant 0 : i32
      %dma_start3A_127 = arith.constant 0 : i32
      %dma_start3A_128 = tpu.memref_slice %arg9[%dma_start3A, %dma_start3A_126, %dma_start3A_127] : memref<6x64x128xf32, #tpu.memory_space<vmem>> -> memref<1x64x128xf32, #tpu.memory_space<vmem>>
      %dma_start3A_129 = tpu.memref_squeeze %dma_start3A_128 : memref<1x64x128xf32, #tpu.memory_space<vmem>> -> memref<64x128xf32, #tpu.memory_space<vmem>>
      %dma_start3A_130 = arith.constant 0 : i32
      %dma_start3A_131 = tpu.memref_slice %arg3[%dma_start3A_130, %multiple_of3A] : memref<64x1000000xf32, #tpu.memory_space<hbm>> -> memref<64x128xf32, #tpu.memory_space<hbm>>
      %dma_start3A_132 = tpu.memref_slice %arg12[%dma_start3A_125] : memref<6x!tpu.dma_semaphore, #tpu.memory_space<semaphore_mem>> -> memref<1x!tpu.dma_semaphore, #tpu.memory_space<semaphore_mem>>
      %dma_start3A_133 = tpu.memref_squeeze %dma_start3A_132 : memref<1x!tpu.dma_semaphore, #tpu.memory_space<semaphore_mem>> -> memref<!tpu.dma_semaphore, #tpu.memory_space<semaphore_mem>>
      %dma_start3A_134 = arith.constant 0 : i32
      %dma_start3A_135 = arith.constant 0 : i32
      %dma_start3A_136 = tpu.memref_slice %arg9[%dma_start3A, %dma_start3A_134, %dma_start3A_135] : memref<6x64x128xf32, #tpu.memory_space<vmem>> -> memref<1x64x128xf32, #tpu.memory_space<vmem>>
      %dma_start3A_137 = tpu.memref_squeeze %dma_start3A_136 : memref<1x64x128xf32, #tpu.memory_space<vmem>> -> memref<64x128xf32, #tpu.memory_space<vmem>>
      %dma_start3A_138 = arith.constant 0 : i32
      %dma_start3A_139 = tpu.memref_slice %arg3[%dma_start3A_138, %multiple_of3A] : memref<64x1000000xf32, #tpu.memory_space<hbm>> -> memref<64x128xf32, #tpu.memory_space<hbm>>
      tpu.enqueue_dma source(%dma_start3A_139 : memref<64x128xf32, #tpu.memory_space<hbm>>) target(%dma_start3A_137 : memref<64x128xf32, #tpu.memory_space<vmem>>) target_semaphore(%dma_start3A_133 : memref<!tpu.dma_semaphore, #tpu.memory_space<semaphore_mem>>)
    } else {
    }
    %ge3A_52 = arith.constant 7812 : i32
    %ge3A_53 = arith.cmpi sge, %add3A_46, %ge3A_52 : i32
    %convert_element_type3A_54 = arith.extui %ge3A_53 : i1 to i32
    %cond3A_55 = arith.constant 0 : i32
    %cond3A_56 = arith.cmpi ne, %convert_element_type3A_54, %cond3A_55 : i32
    scf.if %cond3A_56 {
      %dma_start3A = arith.constant 2 : i32
      %dma_start3A_123 = arith.constant 2 : i32
      %dma_start3A_124 = arith.constant 0 : i32
      %dma_start3A_125 = arith.constant 0 : i32
      %dma_start3A_126 = tpu.memref_slice %arg9[%dma_start3A, %dma_start3A_124, %dma_start3A_125] : memref<6x64x128xf32, #tpu.memory_space<vmem>> -> memref<1x64x128xf32, #tpu.memory_space<vmem>>
      %dma_start3A_127 = tpu.memref_squeeze %dma_start3A_126 : memref<1x64x128xf32, #tpu.memory_space<vmem>> -> memref<64x128xf32, #tpu.memory_space<vmem>>
      %dma_start3A_128 = tpu.memref_slice %arg12[%dma_start3A_123] : memref<6x!tpu.dma_semaphore, #tpu.memory_space<semaphore_mem>> -> memref<1x!tpu.dma_semaphore, #tpu.memory_space<semaphore_mem>>
      %dma_start3A_129 = tpu.memref_squeeze %dma_start3A_128 : memref<1x!tpu.dma_semaphore, #tpu.memory_space<semaphore_mem>> -> memref<!tpu.dma_semaphore, #tpu.memory_space<semaphore_mem>>
      %dma_start3A_130 = arith.constant 0 : i32
      %dma_start3A_131 = arith.constant 0 : i32
      %dma_start3A_132 = tpu.memref_slice %arg9[%dma_start3A, %dma_start3A_130, %dma_start3A_131] : memref<6x64x128xf32, #tpu.memory_space<vmem>> -> memref<1x64x128xf32, #tpu.memory_space<vmem>>
      %dma_start3A_133 = tpu.memref_squeeze %dma_start3A_132 : memref<1x64x128xf32, #tpu.memory_space<vmem>> -> memref<64x128xf32, #tpu.memory_space<vmem>>
      tpu.enqueue_dma source(%arg4 : memref<64x128xf32, #tpu.memory_space<hbm>>) target(%dma_start3A_133 : memref<64x128xf32, #tpu.memory_space<vmem>>) target_semaphore(%dma_start3A_129 : memref<!tpu.dma_semaphore, #tpu.memory_space<semaphore_mem>>)
    } else {
    }
    %add3A_57 = arith.constant 96 : i32
    %add3A_58 = arith.addi %add3A, %add3A_57 : i32
    %lt3A_59 = arith.constant 7812 : i32
    %lt3A_60 = arith.cmpi slt, %add3A_58, %lt3A_59 : i32
    %convert_element_type3A_61 = arith.extui %lt3A_60 : i1 to i32
    %cond3A_62 = arith.constant 0 : i32
    %cond3A_63 = arith.cmpi ne, %convert_element_type3A_61, %cond3A_62 : i32
    scf.if %cond3A_63 {
      %mul3A_123 = arith.constant 128 : i32
      %mul3A_124 = arith.muli %add3A_58, %mul3A_123 : i32
      %multiple_of3A = tpu.assume_multiple %mul3A_124, 128 : i32
      %dma_start3A = arith.constant 3 : i32
      %dma_start3A_125 = arith.constant 3 : i32
      %dma_start3A_126 = arith.constant 0 : i32
      %dma_start3A_127 = arith.constant 0 : i32
      %dma_start3A_128 = tpu.memref_slice %arg9[%dma_start3A, %dma_start3A_126, %dma_start3A_127] : memref<6x64x128xf32, #tpu.memory_space<vmem>> -> memref<1x64x128xf32, #tpu.memory_space<vmem>>
      %dma_start3A_129 = tpu.memref_squeeze %dma_start3A_128 : memref<1x64x128xf32, #tpu.memory_space<vmem>> -> memref<64x128xf32, #tpu.memory_space<vmem>>
      %dma_start3A_130 = arith.constant 0 : i32
      %dma_start3A_131 = tpu.memref_slice %arg3[%dma_start3A_130, %multiple_of3A] : memref<64x1000000xf32, #tpu.memory_space<hbm>> -> memref<64x128xf32, #tpu.memory_space<hbm>>
      %dma_start3A_132 = tpu.memref_slice %arg12[%dma_start3A_125] : memref<6x!tpu.dma_semaphore, #tpu.memory_space<semaphore_mem>> -> memref<1x!tpu.dma_semaphore, #tpu.memory_space<semaphore_mem>>
      %dma_start3A_133 = tpu.memref_squeeze %dma_start3A_132 : memref<1x!tpu.dma_semaphore, #tpu.memory_space<semaphore_mem>> -> memref<!tpu.dma_semaphore, #tpu.memory_space<semaphore_mem>>
      %dma_start3A_134 = arith.constant 0 : i32
      %dma_start3A_135 = arith.constant 0 : i32
      %dma_start3A_136 = tpu.memref_slice %arg9[%dma_start3A, %dma_start3A_134, %dma_start3A_135] : memref<6x64x128xf32, #tpu.memory_space<vmem>> -> memref<1x64x128xf32, #tpu.memory_space<vmem>>
      %dma_start3A_137 = tpu.memref_squeeze %dma_start3A_136 : memref<1x64x128xf32, #tpu.memory_space<vmem>> -> memref<64x128xf32, #tpu.memory_space<vmem>>
      %dma_start3A_138 = arith.constant 0 : i32
      %dma_start3A_139 = tpu.memref_slice %arg3[%dma_start3A_138, %multiple_of3A] : memref<64x1000000xf32, #tpu.memory_space<hbm>> -> memref<64x128xf32, #tpu.memory_space<hbm>>
      tpu.enqueue_dma source(%dma_start3A_139 : memref<64x128xf32, #tpu.memory_space<hbm>>) target(%dma_start3A_137 : memref<64x128xf32, #tpu.memory_space<vmem>>) target_semaphore(%dma_start3A_133 : memref<!tpu.dma_semaphore, #tpu.memory_space<semaphore_mem>>)
    } else {
    }
    %ge3A_64 = arith.constant 7812 : i32
    %ge3A_65 = arith.cmpi sge, %add3A_58, %ge3A_64 : i32
    %convert_element_type3A_66 = arith.extui %ge3A_65 : i1 to i32
    %cond3A_67 = arith.constant 0 : i32
    %cond3A_68 = arith.cmpi ne, %convert_element_type3A_66, %cond3A_67 : i32
    scf.if %cond3A_68 {
      %dma_start3A = arith.constant 3 : i32
      %dma_start3A_123 = arith.constant 3 : i32
      %dma_start3A_124 = arith.constant 0 : i32
      %dma_start3A_125 = arith.constant 0 : i32
      %dma_start3A_126 = tpu.memref_slice %arg9[%dma_start3A, %dma_start3A_124, %dma_start3A_125] : memref<6x64x128xf32, #tpu.memory_space<vmem>> -> memref<1x64x128xf32, #tpu.memory_space<vmem>>
      %dma_start3A_127 = tpu.memref_squeeze %dma_start3A_126 : memref<1x64x128xf32, #tpu.memory_space<vmem>> -> memref<64x128xf32, #tpu.memory_space<vmem>>
      %dma_start3A_128 = tpu.memref_slice %arg12[%dma_start3A_123] : memref<6x!tpu.dma_semaphore, #tpu.memory_space<semaphore_mem>> -> memref<1x!tpu.dma_semaphore, #tpu.memory_space<semaphore_mem>>
      %dma_start3A_129 = tpu.memref_squeeze %dma_start3A_128 : memref<1x!tpu.dma_semaphore, #tpu.memory_space<semaphore_mem>> -> memref<!tpu.dma_semaphore, #tpu.memory_space<semaphore_mem>>
      %dma_start3A_130 = arith.constant 0 : i32
      %dma_start3A_131 = arith.constant 0 : i32
      %dma_start3A_132 = tpu.memref_slice %arg9[%dma_start3A, %dma_start3A_130, %dma_start3A_131] : memref<6x64x128xf32, #tpu.memory_space<vmem>> -> memref<1x64x128xf32, #tpu.memory_space<vmem>>
      %dma_start3A_133 = tpu.memref_squeeze %dma_start3A_132 : memref<1x64x128xf32, #tpu.memory_space<vmem>> -> memref<64x128xf32, #tpu.memory_space<vmem>>
      tpu.enqueue_dma source(%arg4 : memref<64x128xf32, #tpu.memory_space<hbm>>) target(%dma_start3A_133 : memref<64x128xf32, #tpu.memory_space<vmem>>) target_semaphore(%dma_start3A_129 : memref<!tpu.dma_semaphore, #tpu.memory_space<semaphore_mem>>)
    } else {
    }
    %add3A_69 = arith.constant 128 : i32
    %add3A_70 = arith.addi %add3A, %add3A_69 : i32
    %lt3A_71 = arith.constant 7812 : i32
    %lt3A_72 = arith.cmpi slt, %add3A_70, %lt3A_71 : i32
    %convert_element_type3A_73 = arith.extui %lt3A_72 : i1 to i32
    %cond3A_74 = arith.constant 0 : i32
    %cond3A_75 = arith.cmpi ne, %convert_element_type3A_73, %cond3A_74 : i32
    scf.if %cond3A_75 {
      %mul3A_123 = arith.constant 128 : i32
      %mul3A_124 = arith.muli %add3A_70, %mul3A_123 : i32
      %multiple_of3A = tpu.assume_multiple %mul3A_124, 128 : i32
      %dma_start3A = arith.constant 4 : i32
      %dma_start3A_125 = arith.constant 4 : i32
      %dma_start3A_126 = arith.constant 0 : i32
      %dma_start3A_127 = arith.constant 0 : i32
      %dma_start3A_128 = tpu.memref_slice %arg9[%dma_start3A, %dma_start3A_126, %dma_start3A_127] : memref<6x64x128xf32, #tpu.memory_space<vmem>> -> memref<1x64x128xf32, #tpu.memory_space<vmem>>
      %dma_start3A_129 = tpu.memref_squeeze %dma_start3A_128 : memref<1x64x128xf32, #tpu.memory_space<vmem>> -> memref<64x128xf32, #tpu.memory_space<vmem>>
      %dma_start3A_130 = arith.constant 0 : i32
      %dma_start3A_131 = tpu.memref_slice %arg3[%dma_start3A_130, %multiple_of3A] : memref<64x1000000xf32, #tpu.memory_space<hbm>> -> memref<64x128xf32, #tpu.memory_space<hbm>>
      %dma_start3A_132 = tpu.memref_slice %arg12[%dma_start3A_125] : memref<6x!tpu.dma_semaphore, #tpu.memory_space<semaphore_mem>> -> memref<1x!tpu.dma_semaphore, #tpu.memory_space<semaphore_mem>>
      %dma_start3A_133 = tpu.memref_squeeze %dma_start3A_132 : memref<1x!tpu.dma_semaphore, #tpu.memory_space<semaphore_mem>> -> memref<!tpu.dma_semaphore, #tpu.memory_space<semaphore_mem>>
      %dma_start3A_134 = arith.constant 0 : i32
      %dma_start3A_135 = arith.constant 0 : i32
      %dma_start3A_136 = tpu.memref_slice %arg9[%dma_start3A, %dma_start3A_134, %dma_start3A_135] : memref<6x64x128xf32, #tpu.memory_space<vmem>> -> memref<1x64x128xf32, #tpu.memory_space<vmem>>
      %dma_start3A_137 = tpu.memref_squeeze %dma_start3A_136 : memref<1x64x128xf32, #tpu.memory_space<vmem>> -> memref<64x128xf32, #tpu.memory_space<vmem>>
      %dma_start3A_138 = arith.constant 0 : i32
      %dma_start3A_139 = tpu.memref_slice %arg3[%dma_start3A_138, %multiple_of3A] : memref<64x1000000xf32, #tpu.memory_space<hbm>> -> memref<64x128xf32, #tpu.memory_space<hbm>>
      tpu.enqueue_dma source(%dma_start3A_139 : memref<64x128xf32, #tpu.memory_space<hbm>>) target(%dma_start3A_137 : memref<64x128xf32, #tpu.memory_space<vmem>>) target_semaphore(%dma_start3A_133 : memref<!tpu.dma_semaphore, #tpu.memory_space<semaphore_mem>>)
    } else {
    }
    %ge3A_76 = arith.constant 7812 : i32
    %ge3A_77 = arith.cmpi sge, %add3A_70, %ge3A_76 : i32
    %convert_element_type3A_78 = arith.extui %ge3A_77 : i1 to i32
    %cond3A_79 = arith.constant 0 : i32
    %cond3A_80 = arith.cmpi ne, %convert_element_type3A_78, %cond3A_79 : i32
    scf.if %cond3A_80 {
      %dma_start3A = arith.constant 4 : i32
      %dma_start3A_123 = arith.constant 4 : i32
      %dma_start3A_124 = arith.constant 0 : i32
      %dma_start3A_125 = arith.constant 0 : i32
      %dma_start3A_126 = tpu.memref_slice %arg9[%dma_start3A, %dma_start3A_124, %dma_start3A_125] : memref<6x64x128xf32, #tpu.memory_space<vmem>> -> memref<1x64x128xf32, #tpu.memory_space<vmem>>
      %dma_start3A_127 = tpu.memref_squeeze %dma_start3A_126 : memref<1x64x128xf32, #tpu.memory_space<vmem>> -> memref<64x128xf32, #tpu.memory_space<vmem>>
      %dma_start3A_128 = tpu.memref_slice %arg12[%dma_start3A_123] : memref<6x!tpu.dma_semaphore, #tpu.memory_space<semaphore_mem>> -> memref<1x!tpu.dma_semaphore, #tpu.memory_space<semaphore_mem>>
      %dma_start3A_129 = tpu.memref_squeeze %dma_start3A_128 : memref<1x!tpu.dma_semaphore, #tpu.memory_space<semaphore_mem>> -> memref<!tpu.dma_semaphore, #tpu.memory_space<semaphore_mem>>
      %dma_start3A_130 = arith.constant 0 : i32
      %dma_start3A_131 = arith.constant 0 : i32
      %dma_start3A_132 = tpu.memref_slice %arg9[%dma_start3A, %dma_start3A_130, %dma_start3A_131] : memref<6x64x128xf32, #tpu.memory_space<vmem>> -> memref<1x64x128xf32, #tpu.memory_space<vmem>>
      %dma_start3A_133 = tpu.memref_squeeze %dma_start3A_132 : memref<1x64x128xf32, #tpu.memory_space<vmem>> -> memref<64x128xf32, #tpu.memory_space<vmem>>
      tpu.enqueue_dma source(%arg4 : memref<64x128xf32, #tpu.memory_space<hbm>>) target(%dma_start3A_133 : memref<64x128xf32, #tpu.memory_space<vmem>>) target_semaphore(%dma_start3A_129 : memref<!tpu.dma_semaphore, #tpu.memory_space<semaphore_mem>>)
    } else {
    }
    %add3A_81 = arith.constant 160 : i32
    %add3A_82 = arith.addi %add3A, %add3A_81 : i32
    %lt3A_83 = arith.constant 7812 : i32
    %lt3A_84 = arith.cmpi slt, %add3A_82, %lt3A_83 : i32
    %convert_element_type3A_85 = arith.extui %lt3A_84 : i1 to i32
    %cond3A_86 = arith.constant 0 : i32
    %cond3A_87 = arith.cmpi ne, %convert_element_type3A_85, %cond3A_86 : i32
    scf.if %cond3A_87 {
      %mul3A_123 = arith.constant 128 : i32
      %mul3A_124 = arith.muli %add3A_82, %mul3A_123 : i32
      %multiple_of3A = tpu.assume_multiple %mul3A_124, 128 : i32
      %dma_start3A = arith.constant 5 : i32
      %dma_start3A_125 = arith.constant 5 : i32
      %dma_start3A_126 = arith.constant 0 : i32
      %dma_start3A_127 = arith.constant 0 : i32
      %dma_start3A_128 = tpu.memref_slice %arg9[%dma_start3A, %dma_start3A_126, %dma_start3A_127] : memref<6x64x128xf32, #tpu.memory_space<vmem>> -> memref<1x64x128xf32, #tpu.memory_space<vmem>>
      %dma_start3A_129 = tpu.memref_squeeze %dma_start3A_128 : memref<1x64x128xf32, #tpu.memory_space<vmem>> -> memref<64x128xf32, #tpu.memory_space<vmem>>
      %dma_start3A_130 = arith.constant 0 : i32
      %dma_start3A_131 = tpu.memref_slice %arg3[%dma_start3A_130, %multiple_of3A] : memref<64x1000000xf32, #tpu.memory_space<hbm>> -> memref<64x128xf32, #tpu.memory_space<hbm>>
      %dma_start3A_132 = tpu.memref_slice %arg12[%dma_start3A_125] : memref<6x!tpu.dma_semaphore, #tpu.memory_space<semaphore_mem>> -> memref<1x!tpu.dma_semaphore, #tpu.memory_space<semaphore_mem>>
      %dma_start3A_133 = tpu.memref_squeeze %dma_start3A_132 : memref<1x!tpu.dma_semaphore, #tpu.memory_space<semaphore_mem>> -> memref<!tpu.dma_semaphore, #tpu.memory_space<semaphore_mem>>
      %dma_start3A_134 = arith.constant 0 : i32
      %dma_start3A_135 = arith.constant 0 : i32
      %dma_start3A_136 = tpu.memref_slice %arg9[%dma_start3A, %dma_start3A_134, %dma_start3A_135] : memref<6x64x128xf32, #tpu.memory_space<vmem>> -> memref<1x64x128xf32, #tpu.memory_space<vmem>>
      %dma_start3A_137 = tpu.memref_squeeze %dma_start3A_136 : memref<1x64x128xf32, #tpu.memory_space<vmem>> -> memref<64x128xf32, #tpu.memory_space<vmem>>
      %dma_start3A_138 = arith.constant 0 : i32
      %dma_start3A_139 = tpu.memref_slice %arg3[%dma_start3A_138, %multiple_of3A] : memref<64x1000000xf32, #tpu.memory_space<hbm>> -> memref<64x128xf32, #tpu.memory_space<hbm>>
      tpu.enqueue_dma source(%dma_start3A_139 : memref<64x128xf32, #tpu.memory_space<hbm>>) target(%dma_start3A_137 : memref<64x128xf32, #tpu.memory_space<vmem>>) target_semaphore(%dma_start3A_133 : memref<!tpu.dma_semaphore, #tpu.memory_space<semaphore_mem>>)
    } else {
    }
    %ge3A_88 = arith.constant 7812 : i32
    %ge3A_89 = arith.cmpi sge, %add3A_82, %ge3A_88 : i32
    %convert_element_type3A_90 = arith.extui %ge3A_89 : i1 to i32
    %cond3A_91 = arith.constant 0 : i32
    %cond3A_92 = arith.cmpi ne, %convert_element_type3A_90, %cond3A_91 : i32
    scf.if %cond3A_92 {
      %dma_start3A = arith.constant 5 : i32
      %dma_start3A_123 = arith.constant 5 : i32
      %dma_start3A_124 = arith.constant 0 : i32
      %dma_start3A_125 = arith.constant 0 : i32
      %dma_start3A_126 = tpu.memref_slice %arg9[%dma_start3A, %dma_start3A_124, %dma_start3A_125] : memref<6x64x128xf32, #tpu.memory_space<vmem>> -> memref<1x64x128xf32, #tpu.memory_space<vmem>>
      %dma_start3A_127 = tpu.memref_squeeze %dma_start3A_126 : memref<1x64x128xf32, #tpu.memory_space<vmem>> -> memref<64x128xf32, #tpu.memory_space<vmem>>
      %dma_start3A_128 = tpu.memref_slice %arg12[%dma_start3A_123] : memref<6x!tpu.dma_semaphore, #tpu.memory_space<semaphore_mem>> -> memref<1x!tpu.dma_semaphore, #tpu.memory_space<semaphore_mem>>
      %dma_start3A_129 = tpu.memref_squeeze %dma_start3A_128 : memref<1x!tpu.dma_semaphore, #tpu.memory_space<semaphore_mem>> -> memref<!tpu.dma_semaphore, #tpu.memory_space<semaphore_mem>>
      %dma_start3A_130 = arith.constant 0 : i32
      %dma_start3A_131 = arith.constant 0 : i32
      %dma_start3A_132 = tpu.memref_slice %arg9[%dma_start3A, %dma_start3A_130, %dma_start3A_131] : memref<6x64x128xf32, #tpu.memory_space<vmem>> -> memref<1x64x128xf32, #tpu.memory_space<vmem>>
      %dma_start3A_133 = tpu.memref_squeeze %dma_start3A_132 : memref<1x64x128xf32, #tpu.memory_space<vmem>> -> memref<64x128xf32, #tpu.memory_space<vmem>>
      tpu.enqueue_dma source(%arg4 : memref<64x128xf32, #tpu.memory_space<hbm>>) target(%dma_start3A_133 : memref<64x128xf32, #tpu.memory_space<vmem>>) target_semaphore(%dma_start3A_129 : memref<!tpu.dma_semaphore, #tpu.memory_space<semaphore_mem>>)
    } else {
    }
    %while3A = arith.constant 0 : i32
    %while3A_93 = arith.constant 0 : i32
    %while3A_94 = arith.subi %add3A_4, %while3A : i32
    %while3A_95 = arith.addi %while3A, %while3A_94 : i32
    %while3A_96 = arith.constant 1 : i32
    %while3A_97 = arith.divsi %while3A_94, %while3A_96 : i32
    %while3A_98 = arith.muli %while3A_97, %while3A_96 : i32
    %while3A_99 = arith.addi %while3A, %while3A_98 : i32
    %while3A_100 = arith.constant 1 : i32
    %while3A_101 = scf.for %while3A_123 = %while3A to %while3A_99 step %while3A_100 iter_args(%while3A_124 = %while3A_93) -> (i32)  : i32 {
      %rem3A = arith.constant 6 : i32
      %rem3A_125 = arith.remsi %while3A_123, %rem3A : i32
      %dma_wait3A = arith.constant 0 : i32
      %dma_wait3A_126 = arith.constant 0 : i32
      %dma_wait3A_127 = tpu.memref_slice %arg9[%rem3A_125, %dma_wait3A, %dma_wait3A_126] : memref<6x64x128xf32, #tpu.memory_space<vmem>> -> memref<1x64x128xf32, #tpu.memory_space<vmem>>
      %dma_wait3A_128 = tpu.memref_squeeze %dma_wait3A_127 : memref<1x64x128xf32, #tpu.memory_space<vmem>> -> memref<64x128xf32, #tpu.memory_space<vmem>>
      %dma_wait3A_129 = arith.constant 0 : i32
      %dma_wait3A_130 = arith.constant 0 : i32
      %dma_wait3A_131 = tpu.memref_slice %arg3[%dma_wait3A_129, %dma_wait3A_130] : memref<64x1000000xf32, #tpu.memory_space<hbm>> -> memref<64x128xf32, #tpu.memory_space<hbm>>
      %dma_wait3A_132 = tpu.memref_slice %arg12[%rem3A_125] : memref<6x!tpu.dma_semaphore, #tpu.memory_space<semaphore_mem>> -> memref<1x!tpu.dma_semaphore, #tpu.memory_space<semaphore_mem>>
      %dma_wait3A_133 = tpu.memref_squeeze %dma_wait3A_132 : memref<1x!tpu.dma_semaphore, #tpu.memory_space<semaphore_mem>> -> memref<!tpu.dma_semaphore, #tpu.memory_space<semaphore_mem>>
      %dma_wait3A_134 = arith.constant 0 : i32
      %dma_wait3A_135 = arith.constant 0 : i32
      %dma_wait3A_136 = tpu.memref_slice %arg9[%rem3A_125, %dma_wait3A_134, %dma_wait3A_135] : memref<6x64x128xf32, #tpu.memory_space<vmem>> -> memref<1x64x128xf32, #tpu.memory_space<vmem>>
      %dma_wait3A_137 = tpu.memref_squeeze %dma_wait3A_136 : memref<1x64x128xf32, #tpu.memory_space<vmem>> -> memref<64x128xf32, #tpu.memory_space<vmem>>
      %dma_wait3A_138 = arith.constant 0 : i32
      %dma_wait3A_139 = arith.constant 0 : i32
      %dma_wait3A_140 = tpu.memref_slice %arg3[%dma_wait3A_138, %dma_wait3A_139] : memref<64x1000000xf32, #tpu.memory_space<hbm>> -> memref<64x128xf32, #tpu.memory_space<hbm>>
      tpu.wait_dma2 semaphore(%dma_wait3A_133 : memref<!tpu.dma_semaphore, #tpu.memory_space<semaphore_mem>>) src(%dma_wait3A_140 : memref<64x128xf32, #tpu.memory_space<hbm>>) dst(%dma_wait3A_137 : memref<64x128xf32, #tpu.memory_space<vmem>>)
      %while3A_141 = arith.constant 0 : i32
      %while3A_142 = arith.subi %shift_right_arithmetic3A_13, %while3A_141 : i32
      %while3A_143 = arith.addi %while3A_141, %while3A_142 : i32
      %while3A_144 = arith.constant 1 : i32
      %while3A_145 = arith.divsi %while3A_142, %while3A_144 : i32
      %while3A_146 = arith.muli %while3A_145, %while3A_144 : i32
      %while3A_147 = arith.addi %while3A_141, %while3A_146 : i32
      %while3A_148 = arith.constant 1 : i32
      %while3A_149 = scf.for %while3A_158 = %while3A_141 to %while3A_147 step %while3A_148 iter_args(%while3A_159 = %while3A_124) -> (i32)  : i32 {
        %mul3A_160 = arith.constant 16 : i32
        %mul3A_161 = arith.muli %while3A_158, %mul3A_160 : i32
        %get3A = arith.index_cast %mul3A_161 : i32 to index
        %get3A_162 = tpu.vector_load %arg7[%get3A] {strides = array<i32>} : memref<16384xi32, #tpu.memory_space<vmem>>, vector<16xi32>,
        %eq3A = vector.broadcast %while3A_123 : i32 to vector<16xi32>
        %eq3A_163 = arith.cmpi eq, %get3A_162, %eq3A : vector<16xi32>
        %all_reduce_population_count3A = tpu.all_reduce %eq3A_163 {dim = 0 : i64, kind = #tpu.reduction_kind<sum>} : vector<16xi1> -> vector<16xi32>
        %slice3A = vector.extract_strided_slice %all_reduce_population_count3A {offsets = [0], sizes = [1], strides = [1]} : vector<16xi32> to vector<1xi32>
        %squeeze3A = vector.extract %slice3A[0] : i32 from vector<1xi32>
        %gt3A_164 = arith.constant 0 : i32
        %gt3A_165 = arith.cmpi sgt, %squeeze3A, %gt3A_164 : i32
        %convert_element_type3A_166 = arith.extui %gt3A_165 : i1 to i32
        %cond3A_167 = arith.constant 0 : i32
        %cond3A_168 = arith.cmpi ne, %convert_element_type3A_166, %cond3A_167 : i32
        scf.if %cond3A_168 {
          %and3A_170 = arith.constant 15 : i32
          %and3A_171 = arith.andi %while3A_159, %and3A_170 : i32
          %shift_right_arithmetic3A_172 = arith.constant 4 : i32
          %shift_right_arithmetic3A_173 = arith.shrsi %while3A_159, %shift_right_arithmetic3A_172 : i32
          %gt3A_174 = arith.constant 0 : i32
          %gt3A_175 = arith.cmpi sgt, %and3A_171, %gt3A_174 : i32
          %jit3A_176 = arith.constant 1 : i32
          %jit3A_177 = arith.constant 0 : i32
          %select_n3A_178 = arith.select %gt3A_175, %jit3A_176, %jit3A_177 : i32
          %add3A_179 = arith.addi %shift_right_arithmetic3A_173, %select_n3A_178 : i32
          %eq3A_180 = arith.constant 0 : i32
          %eq3A_181 = arith.cmpi eq, %and3A_171, %eq3A_180 : i32
          %add3A_182 = arith.addi %and3A_171, %squeeze3A : i32
          %ge3A_183 = arith.constant 17 : i32
          %ge3A_184 = arith.cmpi sge, %add3A_182, %ge3A_183 : i32
          %or3A = arith.ori %eq3A_181, %ge3A_184 : i1
          %ge3A_185 = arith.constant 8 : i32
          %ge3A_186 = arith.cmpi sge, %add3A_179, %ge3A_185 : i32
          %and3A_187 = arith.andi %or3A, %ge3A_186 : i1
          %convert_element_type3A_188 = arith.extui %and3A_187 : i1 to i32
          %cond3A_189 = arith.constant 0 : i32
          %cond3A_190 = arith.cmpi ne, %convert_element_type3A_188, %cond3A_189 : i32
          scf.if %cond3A_190 {
            %and3A_234 = arith.constant 7 : i32
            %and3A_235 = arith.andi %add3A_179, %and3A_234 : i32
            %dma_wait3A_236 = arith.constant 0 : i32
            %dma_wait3A_237 = arith.constant 0 : i32
            %dma_wait3A_238 = arith.constant 0 : i32
            %dma_wait3A_239 = tpu.memref_slice %arg10[%dma_wait3A_236, %dma_wait3A_237, %dma_wait3A_238] : memref<8x16x128xf32, #tpu.memory_space<vmem>> -> memref<1x16x128xf32, #tpu.memory_space<vmem>>
            %dma_wait3A_240 = tpu.memref_squeeze %dma_wait3A_239 : memref<1x16x128xf32, #tpu.memory_space<vmem>> -> memref<16x128xf32, #tpu.memory_space<vmem>>
            %dma_wait3A_241 = arith.constant 0 : i32
            %dma_wait3A_242 = arith.constant 0 : i32
            %dma_wait3A_243 = tpu.memref_slice %arg5[%dma_wait3A_241, %dma_wait3A_242] : memref<16400x128xf32, #tpu.memory_space<hbm>> -> memref<16x128xf32, #tpu.memory_space<hbm>>
            %dma_wait3A_244 = tpu.memref_slice %arg13[%and3A_235] : memref<8x!tpu.dma_semaphore, #tpu.memory_space<semaphore_mem>> -> memref<1x!tpu.dma_semaphore, #tpu.memory_space<semaphore_mem>>
            %dma_wait3A_245 = tpu.memref_squeeze %dma_wait3A_244 : memref<1x!tpu.dma_semaphore, #tpu.memory_space<semaphore_mem>> -> memref<!tpu.dma_semaphore, #tpu.memory_space<semaphore_mem>>
            %dma_wait3A_246 = arith.constant 0 : i32
            %dma_wait3A_247 = arith.constant 0 : i32
            %dma_wait3A_248 = tpu.memref_slice %arg5[%dma_wait3A_246, %dma_wait3A_247] : memref<16400x128xf32, #tpu.memory_space<hbm>> -> memref<16x128xf32, #tpu.memory_space<hbm>>
            %dma_wait3A_249 = arith.constant 0 : i32
            %dma_wait3A_250 = arith.constant 0 : i32
            %dma_wait3A_251 = tpu.memref_slice %arg10[%dma_wait3A_236, %dma_wait3A_249, %dma_wait3A_250] : memref<8x16x128xf32, #tpu.memory_space<vmem>> -> memref<1x16x128xf32, #tpu.memory_space<vmem>>
            %dma_wait3A_252 = tpu.memref_squeeze %dma_wait3A_251 : memref<1x16x128xf32, #tpu.memory_space<vmem>> -> memref<16x128xf32, #tpu.memory_space<vmem>>
            tpu.wait_dma2 semaphore(%dma_wait3A_245 : memref<!tpu.dma_semaphore, #tpu.memory_space<semaphore_mem>>) src(%dma_wait3A_252 : memref<16x128xf32, #tpu.memory_space<vmem>>) dst(%dma_wait3A_248 : memref<16x128xf32, #tpu.memory_space<hbm>>)
          } else {
          }
          %mul3A_191 = arith.constant 16 : i32
          %mul3A_192 = arith.muli %while3A_158, %mul3A_191 : i32
          %get3A_193 = arith.index_cast %mul3A_192 : i32 to index
          %get3A_194 = tpu.vector_load %arg8[%get3A_193] {strides = array<i32>} : memref<16384xi32, #tpu.memory_space<vmem>>, vector<16xi32>,
          %shift_right_arithmetic3A_195 = arith.constant 14 : i32
          %shift_right_arithmetic3A_196 = vector.broadcast %shift_right_arithmetic3A_195 : i32 to vector<16xi32>
          %shift_right_arithmetic3A_197 = arith.shrsi %get3A_194, %shift_right_arithmetic3A_196 : vector<16xi32>
          %and3A_198 = arith.constant 16383 : i32
          %and3A_199 = vector.broadcast %and3A_198 : i32 to vector<16xi32>
          %and3A_200 = arith.andi %get3A_194, %and3A_199 : vector<16xi32>
          %convert_element_type3A_201 = arith.extui %eq3A_163 : vector<16xi1> to vector<16xi32>
          %broadcast_in_dim3A_202 = arith.constant true
          %broadcast_in_dim3A_203 = vector.broadcast %broadcast_in_dim3A_202 : i1 to vector<16xi1>
          %masked_cumsum3A = tpu.scan <sum>, %convert_element_type3A_201 masked %broadcast_in_dim3A_203 : vector<16xi32>, vector<16xi1> -> vector<16xi32>
          %sub3A = arith.constant 1 : i32
          %sub3A_204 = vector.broadcast %sub3A : i32 to vector<16xi32>
          %sub3A_205 = arith.subi %masked_cumsum3A, %sub3A_204 : vector<16xi32>
          %add3A_206 = vector.broadcast %while3A_159 : i32 to vector<16xi32>
          %add3A_207 = arith.addi %add3A_206, %sub3A_205 : vector<16xi32>
          %shift_right_arithmetic3A_208 = arith.constant 4 : i32
          %shift_right_arithmetic3A_209 = vector.broadcast %shift_right_arithmetic3A_208 : i32 to vector<16xi32>
          %shift_right_arithmetic3A_210 = arith.shrsi %add3A_207, %shift_right_arithmetic3A_209 : vector<16xi32>
          %and3A_211 = arith.constant 7 : i32
          %and3A_212 = vector.broadcast %and3A_211 : i32 to vector<16xi32>
          %and3A_213 = arith.andi %shift_right_arithmetic3A_210, %and3A_212 : vector<16xi32>
          %and3A_214 = arith.constant 15 : i32
          %and3A_215 = vector.broadcast %and3A_214 : i32 to vector<16xi32>
          %and3A_216 = arith.andi %add3A_207, %and3A_215 : vector<16xi32>
          tpu.vector_store_idx %arg11[%and3A_213, %and3A_216], %and3A_200 masked %eq3A_163 : memref<8x16xi32, #tpu.memory_space<vmem>>[vector<16xi32>, vector<16xi32>], vector<16xi32>, vector<16xi1>
          %while3A_217 = arith.constant 0 : i32
          %while3A_218 = arith.subi %squeeze3A, %while3A_217 : i32
          %while3A_219 = arith.addi %while3A_217, %while3A_218 : i32
          %while3A_220 = arith.constant 1 : i32
          %while3A_221 = arith.divsi %while3A_218, %while3A_220 : i32
          %while3A_222 = arith.muli %while3A_221, %while3A_220 : i32
          %while3A_223 = arith.addi %while3A_217, %while3A_222 : i32
          %while3A_224 = arith.constant 1 : i32
          %while3A_225 = scf.for %while3A_234 = %while3A_217 to %while3A_223 step %while3A_224 iter_args(%while3A_235 = %eq3A_163) -> (vector<16xi1>)  : i32 {
            %all_reduce_ffs3A = tpu.all_reduce %while3A_235 {dim = 0 : i64, kind = #tpu.reduction_kind<find_first_set>} : vector<16xi1> -> vector<16xi32>
            %eq3A_236 = arith.cmpi eq, %iota3A, %all_reduce_ffs3A : vector<16xi32>
            %jit3A_237 = arith.constant 0 : i32
            %broadcast_in_dim3A_238 = vector.broadcast %jit3A_237 : i32 to vector<16xi32>
            %select_n3A_239 = arith.select %eq3A_236, %shift_right_arithmetic3A_197, %broadcast_in_dim3A_238 : vector<16xi1>, vector<16xi32>
            %reduce_sum3A = arith.constant true
            %reduce_sum3A_240 = vector.broadcast %reduce_sum3A : i1 to vector<16xi1>
            %reduce_sum3A_241 = tpu.scan <sum>, %select_n3A_239 masked %reduce_sum3A_240 : vector<16xi32>, vector<16xi1> -> vector<16xi32>
            %reduce_sum3A_242 = vector.extract %reduce_sum3A_241[15] : i32 from vector<16xi32>
            %add3A_243 = arith.addi %while3A_159, %while3A_234 : i32
            %shift_right_arithmetic3A_244 = arith.constant 4 : i32
            %shift_right_arithmetic3A_245 = arith.shrsi %add3A_243, %shift_right_arithmetic3A_244 : i32
            %and3A_246 = arith.constant 7 : i32
            %and3A_247 = arith.andi %shift_right_arithmetic3A_245, %and3A_246 : i32
            %broadcast_in_dim3A_248 = vector.broadcast %and3A_247 : i32 to vector<16xi32>
            %and3A_249 = arith.constant 15 : i32
            %and3A_250 = arith.andi %add3A_243, %and3A_249 : i32
            %broadcast_in_dim3A_251 = vector.broadcast %and3A_250 : i32 to vector<16xi32>
            %add3A_252 = arith.constant 0 : i32
            %add3A_253 = vector.broadcast %add3A_252 : i32 to vector<16xi32>
            %add3A_254 = arith.addi %iota3A, %add3A_253 : vector<16xi32>
            %broadcast_in_dim3A_255 = vector.broadcast %rem3A_125 : i32 to vector<16xi32>
            %broadcast_in_dim3A_256 = vector.broadcast %reduce_sum3A_242 : i32 to vector<16xi32>
            %gather3A = tpu.vector_load_idx %arg9[%broadcast_in_dim3A_255, %add3A_254, %broadcast_in_dim3A_256] : memref<6x64x128xf32, #tpu.memory_space<vmem>>[vector<16xi32>, vector<16xi32>, vector<16xi32>], vector<16xf32>,
            tpu.vector_store_idx %arg10[%broadcast_in_dim3A_248, %broadcast_in_dim3A_251, %add3A_254], %gather3A : memref<8x16x128xf32, #tpu.memory_space<vmem>>[vector<16xi32>, vector<16xi32>, vector<16xi32>], vector<16xf32>,
            %add3A_257 = arith.constant 16 : i32
            %add3A_258 = vector.broadcast %add3A_257 : i32 to vector<16xi32>
            %add3A_259 = arith.addi %iota3A, %add3A_258 : vector<16xi32>
            %broadcast_in_dim3A_260 = vector.broadcast %rem3A_125 : i32 to vector<16xi32>
            %broadcast_in_dim3A_261 = vector.broadcast %reduce_sum3A_242 : i32 to vector<16xi32>
            %gather3A_262 = tpu.vector_load_idx %arg9[%broadcast_in_dim3A_260, %add3A_259, %broadcast_in_dim3A_261] : memref<6x64x128xf32, #tpu.memory_space<vmem>>[vector<16xi32>, vector<16xi32>, vector<16xi32>], vector<16xf32>,
            tpu.vector_store_idx %arg10[%broadcast_in_dim3A_248, %broadcast_in_dim3A_251, %add3A_259], %gather3A_262 : memref<8x16x128xf32, #tpu.memory_space<vmem>>[vector<16xi32>, vector<16xi32>, vector<16xi32>], vector<16xf32>,
            %add3A_263 = arith.constant 32 : i32
            %add3A_264 = vector.broadcast %add3A_263 : i32 to vector<16xi32>
            %add3A_265 = arith.addi %iota3A, %add3A_264 : vector<16xi32>
            %broadcast_in_dim3A_266 = vector.broadcast %rem3A_125 : i32 to vector<16xi32>
            %broadcast_in_dim3A_267 = vector.broadcast %reduce_sum3A_242 : i32 to vector<16xi32>
            %gather3A_268 = tpu.vector_load_idx %arg9[%broadcast_in_dim3A_266, %add3A_265, %broadcast_in_dim3A_267] : memref<6x64x128xf32, #tpu.memory_space<vmem>>[vector<16xi32>, vector<16xi32>, vector<16xi32>], vector<16xf32>,
            tpu.vector_store_idx %arg10[%broadcast_in_dim3A_248, %broadcast_in_dim3A_251, %add3A_265], %gather3A_268 : memref<8x16x128xf32, #tpu.memory_space<vmem>>[vector<16xi32>, vector<16xi32>, vector<16xi32>], vector<16xf32>,
            %add3A_269 = arith.constant 48 : i32
            %add3A_270 = vector.broadcast %add3A_269 : i32 to vector<16xi32>
            %add3A_271 = arith.addi %iota3A, %add3A_270 : vector<16xi32>
            %broadcast_in_dim3A_272 = vector.broadcast %rem3A_125 : i32 to vector<16xi32>
            %broadcast_in_dim3A_273 = vector.broadcast %reduce_sum3A_242 : i32 to vector<16xi32>
            %gather3A_274 = tpu.vector_load_idx %arg9[%broadcast_in_dim3A_272, %add3A_271, %broadcast_in_dim3A_273] : memref<6x64x128xf32, #tpu.memory_space<vmem>>[vector<16xi32>, vector<16xi32>, vector<16xi32>], vector<16xf32>,
            tpu.vector_store_idx %arg10[%broadcast_in_dim3A_248, %broadcast_in_dim3A_251, %add3A_271], %gather3A_274 : memref<8x16x128xf32, #tpu.memory_space<vmem>>[vector<16xi32>, vector<16xi32>, vector<16xi32>], vector<16xf32>,
            %ne3A = arith.cmpi ne, %iota3A, %all_reduce_ffs3A : vector<16xi32>
            %and3A_275 = arith.andi %while3A_235, %ne3A : vector<16xi1>
            scf.yield %and3A_275 : vector<16xi1>
          }
          %while3A_226 = arith.constant 1 : i32
          %while3A_227 = scf.for %while3A_234 = %while3A_223 to %while3A_219 step %while3A_226 iter_args(%while3A_235 = %while3A_225) -> (vector<16xi1>)  : i32 {
            %all_reduce_ffs3A = tpu.all_reduce %while3A_235 {dim = 0 : i64, kind = #tpu.reduction_kind<find_first_set>} : vector<16xi1> -> vector<16xi32>
            %eq3A_236 = arith.cmpi eq, %iota3A, %all_reduce_ffs3A : vector<16xi32>
            %jit3A_237 = arith.constant 0 : i32
            %broadcast_in_dim3A_238 = vector.broadcast %jit3A_237 : i32 to vector<16xi32>
            %select_n3A_239 = arith.select %eq3A_236, %shift_right_arithmetic3A_197, %broadcast_in_dim3A_238 : vector<16xi1>, vector<16xi32>
            %reduce_sum3A = arith.constant true
            %reduce_sum3A_240 = vector.broadcast %reduce_sum3A : i1 to vector<16xi1>
            %reduce_sum3A_241 = tpu.scan <sum>, %select_n3A_239 masked %reduce_sum3A_240 : vector<16xi32>, vector<16xi1> -> vector<16xi32>
            %reduce_sum3A_242 = vector.extract %reduce_sum3A_241[15] : i32 from vector<16xi32>
            %add3A_243 = arith.addi %while3A_159, %while3A_234 : i32
            %shift_right_arithmetic3A_244 = arith.constant 4 : i32
            %shift_right_arithmetic3A_245 = arith.shrsi %add3A_243, %shift_right_arithmetic3A_244 : i32
            %and3A_246 = arith.constant 7 : i32
            %and3A_247 = arith.andi %shift_right_arithmetic3A_245, %and3A_246 : i32
            %broadcast_in_dim3A_248 = vector.broadcast %and3A_247 : i32 to vector<16xi32>
            %and3A_249 = arith.constant 15 : i32
            %and3A_250 = arith.andi %add3A_243, %and3A_249 : i32
            %broadcast_in_dim3A_251 = vector.broadcast %and3A_250 : i32 to vector<16xi32>
            %add3A_252 = arith.constant 0 : i32
            %add3A_253 = vector.broadcast %add3A_252 : i32 to vector<16xi32>
            %add3A_254 = arith.addi %iota3A, %add3A_253 : vector<16xi32>
            %broadcast_in_dim3A_255 = vector.broadcast %rem3A_125 : i32 to vector<16xi32>
            %broadcast_in_dim3A_256 = vector.broadcast %reduce_sum3A_242 : i32 to vector<16xi32>
            %gather3A = tpu.vector_load_idx %arg9[%broadcast_in_dim3A_255, %add3A_254, %broadcast_in_dim3A_256] : memref<6x64x128xf32, #tpu.memory_space<vmem>>[vector<16xi32>, vector<16xi32>, vector<16xi32>], vector<16xf32>,
            tpu.vector_store_idx %arg10[%broadcast_in_dim3A_248, %broadcast_in_dim3A_251, %add3A_254], %gather3A : memref<8x16x128xf32, #tpu.memory_space<vmem>>[vector<16xi32>, vector<16xi32>, vector<16xi32>], vector<16xf32>,
            %add3A_257 = arith.constant 16 : i32
            %add3A_258 = vector.broadcast %add3A_257 : i32 to vector<16xi32>
            %add3A_259 = arith.addi %iota3A, %add3A_258 : vector<16xi32>
            %broadcast_in_dim3A_260 = vector.broadcast %rem3A_125 : i32 to vector<16xi32>
            %broadcast_in_dim3A_261 = vector.broadcast %reduce_sum3A_242 : i32 to vector<16xi32>
            %gather3A_262 = tpu.vector_load_idx %arg9[%broadcast_in_dim3A_260, %add3A_259, %broadcast_in_dim3A_261] : memref<6x64x128xf32, #tpu.memory_space<vmem>>[vector<16xi32>, vector<16xi32>, vector<16xi32>], vector<16xf32>,
            tpu.vector_store_idx %arg10[%broadcast_in_dim3A_248, %broadcast_in_dim3A_251, %add3A_259], %gather3A_262 : memref<8x16x128xf32, #tpu.memory_space<vmem>>[vector<16xi32>, vector<16xi32>, vector<16xi32>], vector<16xf32>,
            %add3A_263 = arith.constant 32 : i32
            %add3A_264 = vector.broadcast %add3A_263 : i32 to vector<16xi32>
            %add3A_265 = arith.addi %iota3A, %add3A_264 : vector<16xi32>
            %broadcast_in_dim3A_266 = vector.broadcast %rem3A_125 : i32 to vector<16xi32>
            %broadcast_in_dim3A_267 = vector.broadcast %reduce_sum3A_242 : i32 to vector<16xi32>
            %gather3A_268 = tpu.vector_load_idx %arg9[%broadcast_in_dim3A_266, %add3A_265, %broadcast_in_dim3A_267] : memref<6x64x128xf32, #tpu.memory_space<vmem>>[vector<16xi32>, vector<16xi32>, vector<16xi32>], vector<16xf32>,
            tpu.vector_store_idx %arg10[%broadcast_in_dim3A_248, %broadcast_in_dim3A_251, %add3A_265], %gather3A_268 : memref<8x16x128xf32, #tpu.memory_space<vmem>>[vector<16xi32>, vector<16xi32>, vector<16xi32>], vector<16xf32>,
            %add3A_269 = arith.constant 48 : i32
            %add3A_270 = vector.broadcast %add3A_269 : i32 to vector<16xi32>
            %add3A_271 = arith.addi %iota3A, %add3A_270 : vector<16xi32>
            %broadcast_in_dim3A_272 = vector.broadcast %rem3A_125 : i32 to vector<16xi32>
            %broadcast_in_dim3A_273 = vector.broadcast %reduce_sum3A_242 : i32 to vector<16xi32>
            %gather3A_274 = tpu.vector_load_idx %arg9[%broadcast_in_dim3A_272, %add3A_271, %broadcast_in_dim3A_273] : memref<6x64x128xf32, #tpu.memory_space<vmem>>[vector<16xi32>, vector<16xi32>, vector<16xi32>], vector<16xf32>,
            tpu.vector_store_idx %arg10[%broadcast_in_dim3A_248, %broadcast_in_dim3A_251, %add3A_271], %gather3A_274 : memref<8x16x128xf32, #tpu.memory_space<vmem>>[vector<16xi32>, vector<16xi32>, vector<16xi32>], vector<16xf32>,
            %ne3A = arith.cmpi ne, %iota3A, %all_reduce_ffs3A : vector<16xi32>
            %and3A_275 = arith.andi %while3A_235, %ne3A : vector<16xi1>
            scf.yield %and3A_275 : vector<16xi1>
          }
          %add3A_228 = arith.addi %and3A_171, %squeeze3A : i32
          %ge3A_229 = arith.constant 16 : i32
          %ge3A_230 = arith.cmpi sge, %add3A_228, %ge3A_229 : i32
          %convert_element_type3A_231 = arith.extui %ge3A_230 : i1 to i32
          %cond3A_232 = arith.constant 0 : i32
          %cond3A_233 = arith.cmpi ne, %convert_element_type3A_231, %cond3A_232 : i32
          scf.if %cond3A_233 {
            %and3A_234 = arith.constant 7 : i32
            %and3A_235 = arith.andi %shift_right_arithmetic3A_173, %and3A_234 : i32
            %dma_start3A = arith.constant 0 : i32
            %dma_start3A_236 = arith.constant 0 : i32
            %dma_start3A_237 = tpu.memref_slice %arg10[%and3A_235, %dma_start3A, %dma_start3A_236] : memref<8x16x128xf32, #tpu.memory_space<vmem>> -> memref<1x16x128xf32, #tpu.memory_space<vmem>>
            %dma_start3A_238 = tpu.memref_squeeze %dma_start3A_237 : memref<1x16x128xf32, #tpu.memory_space<vmem>> -> memref<16x128xf32, #tpu.memory_space<vmem>>
            %dma_start3A_239 = arith.constant 0 : i32
            %dma_start3A_240 = tpu.memref_slice %arg11[%and3A_235, %dma_start3A_239] : memref<8x16xi32, #tpu.memory_space<vmem>> -> memref<1x16xi32, #tpu.memory_space<vmem>>
            %dma_start3A_241 = tpu.memref_squeeze %dma_start3A_240 : memref<1x16xi32, #tpu.memory_space<vmem>> -> memref<16xi32, #tpu.memory_space<vmem>>
            %dma_start3A_242 = arith.constant 0 : i32
            %dma_start3A_243 = arith.constant 0 : i32
            %dma_start3A_244 = tpu.memref_slice %arg5[%dma_start3A_242, %dma_start3A_243] : memref<16400x128xf32, #tpu.memory_space<hbm>> -> memref<16400x128xf32, #tpu.memory_space<hbm>>
            %dma_start3A_245 = tpu.memref_slice %arg13[%and3A_235] : memref<8x!tpu.dma_semaphore, #tpu.memory_space<semaphore_mem>> -> memref<1x!tpu.dma_semaphore, #tpu.memory_space<semaphore_mem>>
            %dma_start3A_246 = tpu.memref_squeeze %dma_start3A_245 : memref<1x!tpu.dma_semaphore, #tpu.memory_space<semaphore_mem>> -> memref<!tpu.dma_semaphore, #tpu.memory_space<semaphore_mem>>
            tpu.enqueue_indirect_dma source(%dma_start3A_238 : memref<16x128xf32, #tpu.memory_space<vmem>>) target(%dma_start3A_244 : memref<16400x128xf32, #tpu.memory_space<hbm>>) offsets(%dma_start3A_241 : memref<16xi32, #tpu.memory_space<vmem>>) semaphore(%dma_start3A_246 : memref<!tpu.dma_semaphore, #tpu.memory_space<semaphore_mem>>)
          } else {
          }
        } else {
        }
        %add3A_169 = arith.addi %while3A_159, %squeeze3A : i32
        scf.yield %add3A_169 : i32
      }
      %while3A_150 = arith.constant 1 : i32
      %while3A_151 = scf.for %while3A_158 = %while3A_147 to %while3A_143 step %while3A_150 iter_args(%while3A_159 = %while3A_149) -> (i32)  : i32 {
        %mul3A_160 = arith.constant 16 : i32
        %mul3A_161 = arith.muli %while3A_158, %mul3A_160 : i32
        %get3A = arith.index_cast %mul3A_161 : i32 to index
        %get3A_162 = tpu.vector_load %arg7[%get3A] {strides = array<i32>} : memref<16384xi32, #tpu.memory_space<vmem>>, vector<16xi32>,
        %eq3A = vector.broadcast %while3A_123 : i32 to vector<16xi32>
        %eq3A_163 = arith.cmpi eq, %get3A_162, %eq3A : vector<16xi32>
        %all_reduce_population_count3A = tpu.all_reduce %eq3A_163 {dim = 0 : i64, kind = #tpu.reduction_kind<sum>} : vector<16xi1> -> vector<16xi32>
        %slice3A = vector.extract_strided_slice %all_reduce_population_count3A {offsets = [0], sizes = [1], strides = [1]} : vector<16xi32> to vector<1xi32>
        %squeeze3A = vector.extract %slice3A[0] : i32 from vector<1xi32>
        %gt3A_164 = arith.constant 0 : i32
        %gt3A_165 = arith.cmpi sgt, %squeeze3A, %gt3A_164 : i32
        %convert_element_type3A_166 = arith.extui %gt3A_165 : i1 to i32
        %cond3A_167 = arith.constant 0 : i32
        %cond3A_168 = arith.cmpi ne, %convert_element_type3A_166, %cond3A_167 : i32
        scf.if %cond3A_168 {
          %and3A_170 = arith.constant 15 : i32
          %and3A_171 = arith.andi %while3A_159, %and3A_170 : i32
          %shift_right_arithmetic3A_172 = arith.constant 4 : i32
          %shift_right_arithmetic3A_173 = arith.shrsi %while3A_159, %shift_right_arithmetic3A_172 : i32
          %gt3A_174 = arith.constant 0 : i32
          %gt3A_175 = arith.cmpi sgt, %and3A_171, %gt3A_174 : i32
          %jit3A_176 = arith.constant 1 : i32
          %jit3A_177 = arith.constant 0 : i32
          %select_n3A_178 = arith.select %gt3A_175, %jit3A_176, %jit3A_177 : i32
          %add3A_179 = arith.addi %shift_right_arithmetic3A_173, %select_n3A_178 : i32
          %eq3A_180 = arith.constant 0 : i32
          %eq3A_181 = arith.cmpi eq, %and3A_171, %eq3A_180 : i32
          %add3A_182 = arith.addi %and3A_171, %squeeze3A : i32
          %ge3A_183 = arith.constant 17 : i32
          %ge3A_184 = arith.cmpi sge, %add3A_182, %ge3A_183 : i32
          %or3A = arith.ori %eq3A_181, %ge3A_184 : i1
          %ge3A_185 = arith.constant 8 : i32
          %ge3A_186 = arith.cmpi sge, %add3A_179, %ge3A_185 : i32
          %and3A_187 = arith.andi %or3A, %ge3A_186 : i1
          %convert_element_type3A_188 = arith.extui %and3A_187 : i1 to i32
          %cond3A_189 = arith.constant 0 : i32
          %cond3A_190 = arith.cmpi ne, %convert_element_type3A_188, %cond3A_189 : i32
          scf.if %cond3A_190 {
            %and3A_234 = arith.constant 7 : i32
            %and3A_235 = arith.andi %add3A_179, %and3A_234 : i32
            %dma_wait3A_236 = arith.constant 0 : i32
            %dma_wait3A_237 = arith.constant 0 : i32
            %dma_wait3A_238 = arith.constant 0 : i32
            %dma_wait3A_239 = tpu.memref_slice %arg10[%dma_wait3A_236, %dma_wait3A_237, %dma_wait3A_238] : memref<8x16x128xf32, #tpu.memory_space<vmem>> -> memref<1x16x128xf32, #tpu.memory_space<vmem>>
            %dma_wait3A_240 = tpu.memref_squeeze %dma_wait3A_239 : memref<1x16x128xf32, #tpu.memory_space<vmem>> -> memref<16x128xf32, #tpu.memory_space<vmem>>
            %dma_wait3A_241 = arith.constant 0 : i32
            %dma_wait3A_242 = arith.constant 0 : i32
            %dma_wait3A_243 = tpu.memref_slice %arg5[%dma_wait3A_241, %dma_wait3A_242] : memref<16400x128xf32, #tpu.memory_space<hbm>> -> memref<16x128xf32, #tpu.memory_space<hbm>>
            %dma_wait3A_244 = tpu.memref_slice %arg13[%and3A_235] : memref<8x!tpu.dma_semaphore, #tpu.memory_space<semaphore_mem>> -> memref<1x!tpu.dma_semaphore, #tpu.memory_space<semaphore_mem>>
            %dma_wait3A_245 = tpu.memref_squeeze %dma_wait3A_244 : memref<1x!tpu.dma_semaphore, #tpu.memory_space<semaphore_mem>> -> memref<!tpu.dma_semaphore, #tpu.memory_space<semaphore_mem>>
            %dma_wait3A_246 = arith.constant 0 : i32
            %dma_wait3A_247 = arith.constant 0 : i32
            %dma_wait3A_248 = tpu.memref_slice %arg5[%dma_wait3A_246, %dma_wait3A_247] : memref<16400x128xf32, #tpu.memory_space<hbm>> -> memref<16x128xf32, #tpu.memory_space<hbm>>
            %dma_wait3A_249 = arith.constant 0 : i32
            %dma_wait3A_250 = arith.constant 0 : i32
            %dma_wait3A_251 = tpu.memref_slice %arg10[%dma_wait3A_236, %dma_wait3A_249, %dma_wait3A_250] : memref<8x16x128xf32, #tpu.memory_space<vmem>> -> memref<1x16x128xf32, #tpu.memory_space<vmem>>
            %dma_wait3A_252 = tpu.memref_squeeze %dma_wait3A_251 : memref<1x16x128xf32, #tpu.memory_space<vmem>> -> memref<16x128xf32, #tpu.memory_space<vmem>>
            tpu.wait_dma2 semaphore(%dma_wait3A_245 : memref<!tpu.dma_semaphore, #tpu.memory_space<semaphore_mem>>) src(%dma_wait3A_252 : memref<16x128xf32, #tpu.memory_space<vmem>>) dst(%dma_wait3A_248 : memref<16x128xf32, #tpu.memory_space<hbm>>)
          } else {
          }
          %mul3A_191 = arith.constant 16 : i32
          %mul3A_192 = arith.muli %while3A_158, %mul3A_191 : i32
          %get3A_193 = arith.index_cast %mul3A_192 : i32 to index
          %get3A_194 = tpu.vector_load %arg8[%get3A_193] {strides = array<i32>} : memref<16384xi32, #tpu.memory_space<vmem>>, vector<16xi32>,
          %shift_right_arithmetic3A_195 = arith.constant 14 : i32
          %shift_right_arithmetic3A_196 = vector.broadcast %shift_right_arithmetic3A_195 : i32 to vector<16xi32>
          %shift_right_arithmetic3A_197 = arith.shrsi %get3A_194, %shift_right_arithmetic3A_196 : vector<16xi32>
          %and3A_198 = arith.constant 16383 : i32
          %and3A_199 = vector.broadcast %and3A_198 : i32 to vector<16xi32>
          %and3A_200 = arith.andi %get3A_194, %and3A_199 : vector<16xi32>
          %convert_element_type3A_201 = arith.extui %eq3A_163 : vector<16xi1> to vector<16xi32>
          %broadcast_in_dim3A_202 = arith.constant true
          %broadcast_in_dim3A_203 = vector.broadcast %broadcast_in_dim3A_202 : i1 to vector<16xi1>
          %masked_cumsum3A = tpu.scan <sum>, %convert_element_type3A_201 masked %broadcast_in_dim3A_203 : vector<16xi32>, vector<16xi1> -> vector<16xi32>
          %sub3A = arith.constant 1 : i32
          %sub3A_204 = vector.broadcast %sub3A : i32 to vector<16xi32>
          %sub3A_205 = arith.subi %masked_cumsum3A, %sub3A_204 : vector<16xi32>
          %add3A_206 = vector.broadcast %while3A_159 : i32 to vector<16xi32>
          %add3A_207 = arith.addi %add3A_206, %sub3A_205 : vector<16xi32>
          %shift_right_arithmetic3A_208 = arith.constant 4 : i32
          %shift_right_arithmetic3A_209 = vector.broadcast %shift_right_arithmetic3A_208 : i32 to vector<16xi32>
          %shift_right_arithmetic3A_210 = arith.shrsi %add3A_207, %shift_right_arithmetic3A_209 : vector<16xi32>
          %and3A_211 = arith.constant 7 : i32
          %and3A_212 = vector.broadcast %and3A_211 : i32 to vector<16xi32>
          %and3A_213 = arith.andi %shift_right_arithmetic3A_210, %and3A_212 : vector<16xi32>
          %and3A_214 = arith.constant 15 : i32
          %and3A_215 = vector.broadcast %and3A_214 : i32 to vector<16xi32>
          %and3A_216 = arith.andi %add3A_207, %and3A_215 : vector<16xi32>
          tpu.vector_store_idx %arg11[%and3A_213, %and3A_216], %and3A_200 masked %eq3A_163 : memref<8x16xi32, #tpu.memory_space<vmem>>[vector<16xi32>, vector<16xi32>], vector<16xi32>, vector<16xi1>
          %while3A_217 = arith.constant 0 : i32
          %while3A_218 = arith.subi %squeeze3A, %while3A_217 : i32
          %while3A_219 = arith.addi %while3A_217, %while3A_218 : i32
          %while3A_220 = arith.constant 1 : i32
          %while3A_221 = arith.divsi %while3A_218, %while3A_220 : i32
          %while3A_222 = arith.muli %while3A_221, %while3A_220 : i32
          %while3A_223 = arith.addi %while3A_217, %while3A_222 : i32
          %while3A_224 = arith.constant 1 : i32
          %while3A_225 = scf.for %while3A_234 = %while3A_217 to %while3A_223 step %while3A_224 iter_args(%while3A_235 = %eq3A_163) -> (vector<16xi1>)  : i32 {
            %all_reduce_ffs3A = tpu.all_reduce %while3A_235 {dim = 0 : i64, kind = #tpu.reduction_kind<find_first_set>} : vector<16xi1> -> vector<16xi32>
            %eq3A_236 = arith.cmpi eq, %iota3A, %all_reduce_ffs3A : vector<16xi32>
            %jit3A_237 = arith.constant 0 : i32
            %broadcast_in_dim3A_238 = vector.broadcast %jit3A_237 : i32 to vector<16xi32>
            %select_n3A_239 = arith.select %eq3A_236, %shift_right_arithmetic3A_197, %broadcast_in_dim3A_238 : vector<16xi1>, vector<16xi32>
            %reduce_sum3A = arith.constant true
            %reduce_sum3A_240 = vector.broadcast %reduce_sum3A : i1 to vector<16xi1>
            %reduce_sum3A_241 = tpu.scan <sum>, %select_n3A_239 masked %reduce_sum3A_240 : vector<16xi32>, vector<16xi1> -> vector<16xi32>
            %reduce_sum3A_242 = vector.extract %reduce_sum3A_241[15] : i32 from vector<16xi32>
            %add3A_243 = arith.addi %while3A_159, %while3A_234 : i32
            %shift_right_arithmetic3A_244 = arith.constant 4 : i32
            %shift_right_arithmetic3A_245 = arith.shrsi %add3A_243, %shift_right_arithmetic3A_244 : i32
            %and3A_246 = arith.constant 7 : i32
            %and3A_247 = arith.andi %shift_right_arithmetic3A_245, %and3A_246 : i32
            %broadcast_in_dim3A_248 = vector.broadcast %and3A_247 : i32 to vector<16xi32>
            %and3A_249 = arith.constant 15 : i32
            %and3A_250 = arith.andi %add3A_243, %and3A_249 : i32
            %broadcast_in_dim3A_251 = vector.broadcast %and3A_250 : i32 to vector<16xi32>
            %add3A_252 = arith.constant 0 : i32
            %add3A_253 = vector.broadcast %add3A_252 : i32 to vector<16xi32>
            %add3A_254 = arith.addi %iota3A, %add3A_253 : vector<16xi32>
            %broadcast_in_dim3A_255 = vector.broadcast %rem3A_125 : i32 to vector<16xi32>
            %broadcast_in_dim3A_256 = vector.broadcast %reduce_sum3A_242 : i32 to vector<16xi32>
            %gather3A = tpu.vector_load_idx %arg9[%broadcast_in_dim3A_255, %add3A_254, %broadcast_in_dim3A_256] : memref<6x64x128xf32, #tpu.memory_space<vmem>>[vector<16xi32>, vector<16xi32>, vector<16xi32>], vector<16xf32>,
            tpu.vector_store_idx %arg10[%broadcast_in_dim3A_248, %broadcast_in_dim3A_251, %add3A_254], %gather3A : memref<8x16x128xf32, #tpu.memory_space<vmem>>[vector<16xi32>, vector<16xi32>, vector<16xi32>], vector<16xf32>,
            %add3A_257 = arith.constant 16 : i32
            %add3A_258 = vector.broadcast %add3A_257 : i32 to vector<16xi32>
            %add3A_259 = arith.addi %iota3A, %add3A_258 : vector<16xi32>
            %broadcast_in_dim3A_260 = vector.broadcast %rem3A_125 : i32 to vector<16xi32>
            %broadcast_in_dim3A_261 = vector.broadcast %reduce_sum3A_242 : i32 to vector<16xi32>
            %gather3A_262 = tpu.vector_load_idx %arg9[%broadcast_in_dim3A_260, %add3A_259, %broadcast_in_dim3A_261] : memref<6x64x128xf32, #tpu.memory_space<vmem>>[vector<16xi32>, vector<16xi32>, vector<16xi32>], vector<16xf32>,
            tpu.vector_store_idx %arg10[%broadcast_in_dim3A_248, %broadcast_in_dim3A_251, %add3A_259], %gather3A_262 : memref<8x16x128xf32, #tpu.memory_space<vmem>>[vector<16xi32>, vector<16xi32>, vector<16xi32>], vector<16xf32>,
            %add3A_263 = arith.constant 32 : i32
            %add3A_264 = vector.broadcast %add3A_263 : i32 to vector<16xi32>
            %add3A_265 = arith.addi %iota3A, %add3A_264 : vector<16xi32>
            %broadcast_in_dim3A_266 = vector.broadcast %rem3A_125 : i32 to vector<16xi32>
            %broadcast_in_dim3A_267 = vector.broadcast %reduce_sum3A_242 : i32 to vector<16xi32>
            %gather3A_268 = tpu.vector_load_idx %arg9[%broadcast_in_dim3A_266, %add3A_265, %broadcast_in_dim3A_267] : memref<6x64x128xf32, #tpu.memory_space<vmem>>[vector<16xi32>, vector<16xi32>, vector<16xi32>], vector<16xf32>,
            tpu.vector_store_idx %arg10[%broadcast_in_dim3A_248, %broadcast_in_dim3A_251, %add3A_265], %gather3A_268 : memref<8x16x128xf32, #tpu.memory_space<vmem>>[vector<16xi32>, vector<16xi32>, vector<16xi32>], vector<16xf32>,
            %add3A_269 = arith.constant 48 : i32
            %add3A_270 = vector.broadcast %add3A_269 : i32 to vector<16xi32>
            %add3A_271 = arith.addi %iota3A, %add3A_270 : vector<16xi32>
            %broadcast_in_dim3A_272 = vector.broadcast %rem3A_125 : i32 to vector<16xi32>
            %broadcast_in_dim3A_273 = vector.broadcast %reduce_sum3A_242 : i32 to vector<16xi32>
            %gather3A_274 = tpu.vector_load_idx %arg9[%broadcast_in_dim3A_272, %add3A_271, %broadcast_in_dim3A_273] : memref<6x64x128xf32, #tpu.memory_space<vmem>>[vector<16xi32>, vector<16xi32>, vector<16xi32>], vector<16xf32>,
            tpu.vector_store_idx %arg10[%broadcast_in_dim3A_248, %broadcast_in_dim3A_251, %add3A_271], %gather3A_274 : memref<8x16x128xf32, #tpu.memory_space<vmem>>[vector<16xi32>, vector<16xi32>, vector<16xi32>], vector<16xf32>,
            %ne3A = arith.cmpi ne, %iota3A, %all_reduce_ffs3A : vector<16xi32>
            %and3A_275 = arith.andi %while3A_235, %ne3A : vector<16xi1>
            scf.yield %and3A_275 : vector<16xi1>
          }
          %while3A_226 = arith.constant 1 : i32
          %while3A_227 = scf.for %while3A_234 = %while3A_223 to %while3A_219 step %while3A_226 iter_args(%while3A_235 = %while3A_225) -> (vector<16xi1>)  : i32 {
            %all_reduce_ffs3A = tpu.all_reduce %while3A_235 {dim = 0 : i64, kind = #tpu.reduction_kind<find_first_set>} : vector<16xi1> -> vector<16xi32>
            %eq3A_236 = arith.cmpi eq, %iota3A, %all_reduce_ffs3A : vector<16xi32>
            %jit3A_237 = arith.constant 0 : i32
            %broadcast_in_dim3A_238 = vector.broadcast %jit3A_237 : i32 to vector<16xi32>
            %select_n3A_239 = arith.select %eq3A_236, %shift_right_arithmetic3A_197, %broadcast_in_dim3A_238 : vector<16xi1>, vector<16xi32>
            %reduce_sum3A = arith.constant true
            %reduce_sum3A_240 = vector.broadcast %reduce_sum3A : i1 to vector<16xi1>
            %reduce_sum3A_241 = tpu.scan <sum>, %select_n3A_239 masked %reduce_sum3A_240 : vector<16xi32>, vector<16xi1> -> vector<16xi32>
            %reduce_sum3A_242 = vector.extract %reduce_sum3A_241[15] : i32 from vector<16xi32>
            %add3A_243 = arith.addi %while3A_159, %while3A_234 : i32
            %shift_right_arithmetic3A_244 = arith.constant 4 : i32
            %shift_right_arithmetic3A_245 = arith.shrsi %add3A_243, %shift_right_arithmetic3A_244 : i32
            %and3A_246 = arith.constant 7 : i32
            %and3A_247 = arith.andi %shift_right_arithmetic3A_245, %and3A_246 : i32
            %broadcast_in_dim3A_248 = vector.broadcast %and3A_247 : i32 to vector<16xi32>
            %and3A_249 = arith.constant 15 : i32
            %and3A_250 = arith.andi %add3A_243, %and3A_249 : i32
            %broadcast_in_dim3A_251 = vector.broadcast %and3A_250 : i32 to vector<16xi32>
            %add3A_252 = arith.constant 0 : i32
            %add3A_253 = vector.broadcast %add3A_252 : i32 to vector<16xi32>
            %add3A_254 = arith.addi %iota3A, %add3A_253 : vector<16xi32>
            %broadcast_in_dim3A_255 = vector.broadcast %rem3A_125 : i32 to vector<16xi32>
            %broadcast_in_dim3A_256 = vector.broadcast %reduce_sum3A_242 : i32 to vector<16xi32>
            %gather3A = tpu.vector_load_idx %arg9[%broadcast_in_dim3A_255, %add3A_254, %broadcast_in_dim3A_256] : memref<6x64x128xf32, #tpu.memory_space<vmem>>[vector<16xi32>, vector<16xi32>, vector<16xi32>], vector<16xf32>,
            tpu.vector_store_idx %arg10[%broadcast_in_dim3A_248, %broadcast_in_dim3A_251, %add3A_254], %gather3A : memref<8x16x128xf32, #tpu.memory_space<vmem>>[vector<16xi32>, vector<16xi32>, vector<16xi32>], vector<16xf32>,
            %add3A_257 = arith.constant 16 : i32
            %add3A_258 = vector.broadcast %add3A_257 : i32 to vector<16xi32>
            %add3A_259 = arith.addi %iota3A, %add3A_258 : vector<16xi32>
            %broadcast_in_dim3A_260 = vector.broadcast %rem3A_125 : i32 to vector<16xi32>
            %broadcast_in_dim3A_261 = vector.broadcast %reduce_sum3A_242 : i32 to vector<16xi32>
            %gather3A_262 = tpu.vector_load_idx %arg9[%broadcast_in_dim3A_260, %add3A_259, %broadcast_in_dim3A_261] : memref<6x64x128xf32, #tpu.memory_space<vmem>>[vector<16xi32>, vector<16xi32>, vector<16xi32>], vector<16xf32>,
            tpu.vector_store_idx %arg10[%broadcast_in_dim3A_248, %broadcast_in_dim3A_251, %add3A_259], %gather3A_262 : memref<8x16x128xf32, #tpu.memory_space<vmem>>[vector<16xi32>, vector<16xi32>, vector<16xi32>], vector<16xf32>,
            %add3A_263 = arith.constant 32 : i32
            %add3A_264 = vector.broadcast %add3A_263 : i32 to vector<16xi32>
            %add3A_265 = arith.addi %iota3A, %add3A_264 : vector<16xi32>
            %broadcast_in_dim3A_266 = vector.broadcast %rem3A_125 : i32 to vector<16xi32>
            %broadcast_in_dim3A_267 = vector.broadcast %reduce_sum3A_242 : i32 to vector<16xi32>
            %gather3A_268 = tpu.vector_load_idx %arg9[%broadcast_in_dim3A_266, %add3A_265, %broadcast_in_dim3A_267] : memref<6x64x128xf32, #tpu.memory_space<vmem>>[vector<16xi32>, vector<16xi32>, vector<16xi32>], vector<16xf32>,
            tpu.vector_store_idx %arg10[%broadcast_in_dim3A_248, %broadcast_in_dim3A_251, %add3A_265], %gather3A_268 : memref<8x16x128xf32, #tpu.memory_space<vmem>>[vector<16xi32>, vector<16xi32>, vector<16xi32>], vector<16xf32>,
            %add3A_269 = arith.constant 48 : i32
            %add3A_270 = vector.broadcast %add3A_269 : i32 to vector<16xi32>
            %add3A_271 = arith.addi %iota3A, %add3A_270 : vector<16xi32>
            %broadcast_in_dim3A_272 = vector.broadcast %rem3A_125 : i32 to vector<16xi32>
            %broadcast_in_dim3A_273 = vector.broadcast %reduce_sum3A_242 : i32 to vector<16xi32>
            %gather3A_274 = tpu.vector_load_idx %arg9[%broadcast_in_dim3A_272, %add3A_271, %broadcast_in_dim3A_273] : memref<6x64x128xf32, #tpu.memory_space<vmem>>[vector<16xi32>, vector<16xi32>, vector<16xi32>], vector<16xf32>,
            tpu.vector_store_idx %arg10[%broadcast_in_dim3A_248, %broadcast_in_dim3A_251, %add3A_271], %gather3A_274 : memref<8x16x128xf32, #tpu.memory_space<vmem>>[vector<16xi32>, vector<16xi32>, vector<16xi32>], vector<16xf32>,
            %ne3A = arith.cmpi ne, %iota3A, %all_reduce_ffs3A : vector<16xi32>
            %and3A_275 = arith.andi %while3A_235, %ne3A : vector<16xi1>
            scf.yield %and3A_275 : vector<16xi1>
          }
          %add3A_228 = arith.addi %and3A_171, %squeeze3A : i32
          %ge3A_229 = arith.constant 16 : i32
          %ge3A_230 = arith.cmpi sge, %add3A_228, %ge3A_229 : i32
          %convert_element_type3A_231 = arith.extui %ge3A_230 : i1 to i32
          %cond3A_232 = arith.constant 0 : i32
          %cond3A_233 = arith.cmpi ne, %convert_element_type3A_231, %cond3A_232 : i32
          scf.if %cond3A_233 {
            %and3A_234 = arith.constant 7 : i32
            %and3A_235 = arith.andi %shift_right_arithmetic3A_173, %and3A_234 : i32
            %dma_start3A = arith.constant 0 : i32
            %dma_start3A_236 = arith.constant 0 : i32
            %dma_start3A_237 = tpu.memref_slice %arg10[%and3A_235, %dma_start3A, %dma_start3A_236] : memref<8x16x128xf32, #tpu.memory_space<vmem>> -> memref<1x16x128xf32, #tpu.memory_space<vmem>>
            %dma_start3A_238 = tpu.memref_squeeze %dma_start3A_237 : memref<1x16x128xf32, #tpu.memory_space<vmem>> -> memref<16x128xf32, #tpu.memory_space<vmem>>
            %dma_start3A_239 = arith.constant 0 : i32
            %dma_start3A_240 = tpu.memref_slice %arg11[%and3A_235, %dma_start3A_239] : memref<8x16xi32, #tpu.memory_space<vmem>> -> memref<1x16xi32, #tpu.memory_space<vmem>>
            %dma_start3A_241 = tpu.memref_squeeze %dma_start3A_240 : memref<1x16xi32, #tpu.memory_space<vmem>> -> memref<16xi32, #tpu.memory_space<vmem>>
            %dma_start3A_242 = arith.constant 0 : i32
            %dma_start3A_243 = arith.constant 0 : i32
            %dma_start3A_244 = tpu.memref_slice %arg5[%dma_start3A_242, %dma_start3A_243] : memref<16400x128xf32, #tpu.memory_space<hbm>> -> memref<16400x128xf32, #tpu.memory_space<hbm>>
            %dma_start3A_245 = tpu.memref_slice %arg13[%and3A_235] : memref<8x!tpu.dma_semaphore, #tpu.memory_space<semaphore_mem>> -> memref<1x!tpu.dma_semaphore, #tpu.memory_space<semaphore_mem>>
            %dma_start3A_246 = tpu.memref_squeeze %dma_start3A_245 : memref<1x!tpu.dma_semaphore, #tpu.memory_space<semaphore_mem>> -> memref<!tpu.dma_semaphore, #tpu.memory_space<semaphore_mem>>
            tpu.enqueue_indirect_dma source(%dma_start3A_238 : memref<16x128xf32, #tpu.memory_space<vmem>>) target(%dma_start3A_244 : memref<16400x128xf32, #tpu.memory_space<hbm>>) offsets(%dma_start3A_241 : memref<16xi32, #tpu.memory_space<vmem>>) semaphore(%dma_start3A_246 : memref<!tpu.dma_semaphore, #tpu.memory_space<semaphore_mem>>)
          } else {
          }
        } else {
        }
        %add3A_169 = arith.addi %while3A_159, %squeeze3A : i32
        scf.yield %add3A_169 : i32
      }
      %add3A_152 = arith.constant 6 : i32
      %add3A_153 = arith.addi %while3A_123, %add3A_152 : i32
      %lt3A_154 = arith.cmpi slt, %add3A_153, %add3A_4 : i32
      %convert_element_type3A_155 = arith.extui %lt3A_154 : i1 to i32
      %cond3A_156 = arith.constant 0 : i32
      %cond3A_157 = arith.cmpi ne, %convert_element_type3A_155, %cond3A_156 : i32
      scf.if %cond3A_157 {
        %add3A_158 = arith.constant 6 : i32
        %add3A_159 = arith.addi %while3A_123, %add3A_158 : i32
        %mul3A_160 = arith.constant 32 : i32
        %mul3A_161 = arith.muli %add3A_159, %mul3A_160 : i32
        %add3A_162 = arith.addi %add3A, %mul3A_161 : i32
        %lt3A_163 = arith.constant 7812 : i32
        %lt3A_164 = arith.cmpi slt, %add3A_162, %lt3A_163 : i32
        %convert_element_type3A_165 = arith.extui %lt3A_164 : i1 to i32
        %cond3A_166 = arith.constant 0 : i32
        %cond3A_167 = arith.cmpi ne, %convert_element_type3A_165, %cond3A_166 : i32
        scf.if %cond3A_167 {
          %mul3A_173 = arith.constant 128 : i32
          %mul3A_174 = arith.muli %add3A_162, %mul3A_173 : i32
          %multiple_of3A = tpu.assume_multiple %mul3A_174, 128 : i32
          %dma_start3A = arith.constant 0 : i32
          %dma_start3A_175 = arith.constant 0 : i32
          %dma_start3A_176 = tpu.memref_slice %arg9[%rem3A_125, %dma_start3A, %dma_start3A_175] : memref<6x64x128xf32, #tpu.memory_space<vmem>> -> memref<1x64x128xf32, #tpu.memory_space<vmem>>
          %dma_start3A_177 = tpu.memref_squeeze %dma_start3A_176 : memref<1x64x128xf32, #tpu.memory_space<vmem>> -> memref<64x128xf32, #tpu.memory_space<vmem>>
          %dma_start3A_178 = arith.constant 0 : i32
          %dma_start3A_179 = tpu.memref_slice %arg3[%dma_start3A_178, %multiple_of3A] : memref<64x1000000xf32, #tpu.memory_space<hbm>> -> memref<64x128xf32, #tpu.memory_space<hbm>>
          %dma_start3A_180 = tpu.memref_slice %arg12[%rem3A_125] : memref<6x!tpu.dma_semaphore, #tpu.memory_space<semaphore_mem>> -> memref<1x!tpu.dma_semaphore, #tpu.memory_space<semaphore_mem>>
          %dma_start3A_181 = tpu.memref_squeeze %dma_start3A_180 : memref<1x!tpu.dma_semaphore, #tpu.memory_space<semaphore_mem>> -> memref<!tpu.dma_semaphore, #tpu.memory_space<semaphore_mem>>
          %dma_start3A_182 = arith.constant 0 : i32
          %dma_start3A_183 = arith.constant 0 : i32
          %dma_start3A_184 = tpu.memref_slice %arg9[%rem3A_125, %dma_start3A_182, %dma_start3A_183] : memref<6x64x128xf32, #tpu.memory_space<vmem>> -> memref<1x64x128xf32, #tpu.memory_space<vmem>>
          %dma_start3A_185 = tpu.memref_squeeze %dma_start3A_184 : memref<1x64x128xf32, #tpu.memory_space<vmem>> -> memref<64x128xf32, #tpu.memory_space<vmem>>
          %dma_start3A_186 = arith.constant 0 : i32
          %dma_start3A_187 = tpu.memref_slice %arg3[%dma_start3A_186, %multiple_of3A] : memref<64x1000000xf32, #tpu.memory_space<hbm>> -> memref<64x128xf32, #tpu.memory_space<hbm>>
          tpu.enqueue_dma source(%dma_start3A_187 : memref<64x128xf32, #tpu.memory_space<hbm>>) target(%dma_start3A_185 : memref<64x128xf32, #tpu.memory_space<vmem>>) target_semaphore(%dma_start3A_181 : memref<!tpu.dma_semaphore, #tpu.memory_space<semaphore_mem>>)
        } else {
        }
        %ge3A_168 = arith.constant 7812 : i32
        %ge3A_169 = arith.cmpi sge, %add3A_162, %ge3A_168 : i32
        %convert_element_type3A_170 = arith.extui %ge3A_169 : i1 to i32
        %cond3A_171 = arith.constant 0 : i32
        %cond3A_172 = arith.cmpi ne, %convert_element_type3A_170, %cond3A_171 : i32
        scf.if %cond3A_172 {
          %dma_start3A = arith.constant 0 : i32
          %dma_start3A_173 = arith.constant 0 : i32
          %dma_start3A_174 = tpu.memref_slice %arg9[%rem3A_125, %dma_start3A, %dma_start3A_173] : memref<6x64x128xf32, #tpu.memory_space<vmem>> -> memref<1x64x128xf32, #tpu.memory_space<vmem>>
          %dma_start3A_175 = tpu.memref_squeeze %dma_start3A_174 : memref<1x64x128xf32, #tpu.memory_space<vmem>> -> memref<64x128xf32, #tpu.memory_space<vmem>>
          %dma_start3A_176 = tpu.memref_slice %arg12[%rem3A_125] : memref<6x!tpu.dma_semaphore, #tpu.memory_space<semaphore_mem>> -> memref<1x!tpu.dma_semaphore, #tpu.memory_space<semaphore_mem>>
          %dma_start3A_177 = tpu.memref_squeeze %dma_start3A_176 : memref<1x!tpu.dma_semaphore, #tpu.memory_space<semaphore_mem>> -> memref<!tpu.dma_semaphore, #tpu.memory_space<semaphore_mem>>
          %dma_start3A_178 = arith.constant 0 : i32
          %dma_start3A_179 = arith.constant 0 : i32
          %dma_start3A_180 = tpu.memref_slice %arg9[%rem3A_125, %dma_start3A_178, %dma_start3A_179] : memref<6x64x128xf32, #tpu.memory_space<vmem>> -> memref<1x64x128xf32, #tpu.memory_space<vmem>>
          %dma_start3A_181 = tpu.memref_squeeze %dma_start3A_180 : memref<1x64x128xf32, #tpu.memory_space<vmem>> -> memref<64x128xf32, #tpu.memory_space<vmem>>
          tpu.enqueue_dma source(%arg4 : memref<64x128xf32, #tpu.memory_space<hbm>>) target(%dma_start3A_181 : memref<64x128xf32, #tpu.memory_space<vmem>>) target_semaphore(%dma_start3A_177 : memref<!tpu.dma_semaphore, #tpu.memory_space<semaphore_mem>>)
        } else {
        }
      } else {
      }
      scf.yield %while3A_151 : i32
    }
    %while3A_102 = arith.constant 1 : i32
    %while3A_103 = scf.for %while3A_123 = %while3A_99 to %while3A_95 step %while3A_102 iter_args(%while3A_124 = %while3A_101) -> (i32)  : i32 {
      %rem3A = arith.constant 6 : i32
      %rem3A_125 = arith.remsi %while3A_123, %rem3A : i32
      %dma_wait3A = arith.constant 0 : i32
      %dma_wait3A_126 = arith.constant 0 : i32
      %dma_wait3A_127 = tpu.memref_slice %arg9[%rem3A_125, %dma_wait3A, %dma_wait3A_126] : memref<6x64x128xf32, #tpu.memory_space<vmem>> -> memref<1x64x128xf32, #tpu.memory_space<vmem>>
      %dma_wait3A_128 = tpu.memref_squeeze %dma_wait3A_127 : memref<1x64x128xf32, #tpu.memory_space<vmem>> -> memref<64x128xf32, #tpu.memory_space<vmem>>
      %dma_wait3A_129 = arith.constant 0 : i32
      %dma_wait3A_130 = arith.constant 0 : i32
      %dma_wait3A_131 = tpu.memref_slice %arg3[%dma_wait3A_129, %dma_wait3A_130] : memref<64x1000000xf32, #tpu.memory_space<hbm>> -> memref<64x128xf32, #tpu.memory_space<hbm>>
      %dma_wait3A_132 = tpu.memref_slice %arg12[%rem3A_125] : memref<6x!tpu.dma_semaphore, #tpu.memory_space<semaphore_mem>> -> memref<1x!tpu.dma_semaphore, #tpu.memory_space<semaphore_mem>>
      %dma_wait3A_133 = tpu.memref_squeeze %dma_wait3A_132 : memref<1x!tpu.dma_semaphore, #tpu.memory_space<semaphore_mem>> -> memref<!tpu.dma_semaphore, #tpu.memory_space<semaphore_mem>>
      %dma_wait3A_134 = arith.constant 0 : i32
      %dma_wait3A_135 = arith.constant 0 : i32
      %dma_wait3A_136 = tpu.memref_slice %arg9[%rem3A_125, %dma_wait3A_134, %dma_wait3A_135] : memref<6x64x128xf32, #tpu.memory_space<vmem>> -> memref<1x64x128xf32, #tpu.memory_space<vmem>>
      %dma_wait3A_137 = tpu.memref_squeeze %dma_wait3A_136 : memref<1x64x128xf32, #tpu.memory_space<vmem>> -> memref<64x128xf32, #tpu.memory_space<vmem>>
      %dma_wait3A_138 = arith.constant 0 : i32
      %dma_wait3A_139 = arith.constant 0 : i32
      %dma_wait3A_140 = tpu.memref_slice %arg3[%dma_wait3A_138, %dma_wait3A_139] : memref<64x1000000xf32, #tpu.memory_space<hbm>> -> memref<64x128xf32, #tpu.memory_space<hbm>>
      tpu.wait_dma2 semaphore(%dma_wait3A_133 : memref<!tpu.dma_semaphore, #tpu.memory_space<semaphore_mem>>) src(%dma_wait3A_140 : memref<64x128xf32, #tpu.memory_space<hbm>>) dst(%dma_wait3A_137 : memref<64x128xf32, #tpu.memory_space<vmem>>)
      %while3A_141 = arith.constant 0 : i32
      %while3A_142 = arith.subi %shift_right_arithmetic3A_13, %while3A_141 : i32
      %while3A_143 = arith.addi %while3A_141, %while3A_142 : i32
      %while3A_144 = arith.constant 1 : i32
      %while3A_145 = arith.divsi %while3A_142, %while3A_144 : i32
      %while3A_146 = arith.muli %while3A_145, %while3A_144 : i32
      %while3A_147 = arith.addi %while3A_141, %while3A_146 : i32
      %while3A_148 = arith.constant 1 : i32
      %while3A_149 = scf.for %while3A_158 = %while3A_141 to %while3A_147 step %while3A_148 iter_args(%while3A_159 = %while3A_124) -> (i32)  : i32 {
        %mul3A_160 = arith.constant 16 : i32
        %mul3A_161 = arith.muli %while3A_158, %mul3A_160 : i32
        %get3A = arith.index_cast %mul3A_161 : i32 to index
        %get3A_162 = tpu.vector_load %arg7[%get3A] {strides = array<i32>} : memref<16384xi32, #tpu.memory_space<vmem>>, vector<16xi32>,
        %eq3A = vector.broadcast %while3A_123 : i32 to vector<16xi32>
        %eq3A_163 = arith.cmpi eq, %get3A_162, %eq3A : vector<16xi32>
        %all_reduce_population_count3A = tpu.all_reduce %eq3A_163 {dim = 0 : i64, kind = #tpu.reduction_kind<sum>} : vector<16xi1> -> vector<16xi32>
        %slice3A = vector.extract_strided_slice %all_reduce_population_count3A {offsets = [0], sizes = [1], strides = [1]} : vector<16xi32> to vector<1xi32>
        %squeeze3A = vector.extract %slice3A[0] : i32 from vector<1xi32>
        %gt3A_164 = arith.constant 0 : i32
        %gt3A_165 = arith.cmpi sgt, %squeeze3A, %gt3A_164 : i32
        %convert_element_type3A_166 = arith.extui %gt3A_165 : i1 to i32
        %cond3A_167 = arith.constant 0 : i32
        %cond3A_168 = arith.cmpi ne, %convert_element_type3A_166, %cond3A_167 : i32
        scf.if %cond3A_168 {
          %and3A_170 = arith.constant 15 : i32
          %and3A_171 = arith.andi %while3A_159, %and3A_170 : i32
          %shift_right_arithmetic3A_172 = arith.constant 4 : i32
          %shift_right_arithmetic3A_173 = arith.shrsi %while3A_159, %shift_right_arithmetic3A_172 : i32
          %gt3A_174 = arith.constant 0 : i32
          %gt3A_175 = arith.cmpi sgt, %and3A_171, %gt3A_174 : i32
          %jit3A_176 = arith.constant 1 : i32
          %jit3A_177 = arith.constant 0 : i32
          %select_n3A_178 = arith.select %gt3A_175, %jit3A_176, %jit3A_177 : i32
          %add3A_179 = arith.addi %shift_right_arithmetic3A_173, %select_n3A_178 : i32
          %eq3A_180 = arith.constant 0 : i32
          %eq3A_181 = arith.cmpi eq, %and3A_171, %eq3A_180 : i32
          %add3A_182 = arith.addi %and3A_171, %squeeze3A : i32
          %ge3A_183 = arith.constant 17 : i32
          %ge3A_184 = arith.cmpi sge, %add3A_182, %ge3A_183 : i32
          %or3A = arith.ori %eq3A_181, %ge3A_184 : i1
          %ge3A_185 = arith.constant 8 : i32
          %ge3A_186 = arith.cmpi sge, %add3A_179, %ge3A_185 : i32
          %and3A_187 = arith.andi %or3A, %ge3A_186 : i1
          %convert_element_type3A_188 = arith.extui %and3A_187 : i1 to i32
          %cond3A_189 = arith.constant 0 : i32
          %cond3A_190 = arith.cmpi ne, %convert_element_type3A_188, %cond3A_189 : i32
          scf.if %cond3A_190 {
            %and3A_234 = arith.constant 7 : i32
            %and3A_235 = arith.andi %add3A_179, %and3A_234 : i32
            %dma_wait3A_236 = arith.constant 0 : i32
            %dma_wait3A_237 = arith.constant 0 : i32
            %dma_wait3A_238 = arith.constant 0 : i32
            %dma_wait3A_239 = tpu.memref_slice %arg10[%dma_wait3A_236, %dma_wait3A_237, %dma_wait3A_238] : memref<8x16x128xf32, #tpu.memory_space<vmem>> -> memref<1x16x128xf32, #tpu.memory_space<vmem>>
            %dma_wait3A_240 = tpu.memref_squeeze %dma_wait3A_239 : memref<1x16x128xf32, #tpu.memory_space<vmem>> -> memref<16x128xf32, #tpu.memory_space<vmem>>
            %dma_wait3A_241 = arith.constant 0 : i32
            %dma_wait3A_242 = arith.constant 0 : i32
            %dma_wait3A_243 = tpu.memref_slice %arg5[%dma_wait3A_241, %dma_wait3A_242] : memref<16400x128xf32, #tpu.memory_space<hbm>> -> memref<16x128xf32, #tpu.memory_space<hbm>>
            %dma_wait3A_244 = tpu.memref_slice %arg13[%and3A_235] : memref<8x!tpu.dma_semaphore, #tpu.memory_space<semaphore_mem>> -> memref<1x!tpu.dma_semaphore, #tpu.memory_space<semaphore_mem>>
            %dma_wait3A_245 = tpu.memref_squeeze %dma_wait3A_244 : memref<1x!tpu.dma_semaphore, #tpu.memory_space<semaphore_mem>> -> memref<!tpu.dma_semaphore, #tpu.memory_space<semaphore_mem>>
            %dma_wait3A_246 = arith.constant 0 : i32
            %dma_wait3A_247 = arith.constant 0 : i32
            %dma_wait3A_248 = tpu.memref_slice %arg5[%dma_wait3A_246, %dma_wait3A_247] : memref<16400x128xf32, #tpu.memory_space<hbm>> -> memref<16x128xf32, #tpu.memory_space<hbm>>
            %dma_wait3A_249 = arith.constant 0 : i32
            %dma_wait3A_250 = arith.constant 0 : i32
            %dma_wait3A_251 = tpu.memref_slice %arg10[%dma_wait3A_236, %dma_wait3A_249, %dma_wait3A_250] : memref<8x16x128xf32, #tpu.memory_space<vmem>> -> memref<1x16x128xf32, #tpu.memory_space<vmem>>
            %dma_wait3A_252 = tpu.memref_squeeze %dma_wait3A_251 : memref<1x16x128xf32, #tpu.memory_space<vmem>> -> memref<16x128xf32, #tpu.memory_space<vmem>>
            tpu.wait_dma2 semaphore(%dma_wait3A_245 : memref<!tpu.dma_semaphore, #tpu.memory_space<semaphore_mem>>) src(%dma_wait3A_252 : memref<16x128xf32, #tpu.memory_space<vmem>>) dst(%dma_wait3A_248 : memref<16x128xf32, #tpu.memory_space<hbm>>)
          } else {
          }
          %mul3A_191 = arith.constant 16 : i32
          %mul3A_192 = arith.muli %while3A_158, %mul3A_191 : i32
          %get3A_193 = arith.index_cast %mul3A_192 : i32 to index
          %get3A_194 = tpu.vector_load %arg8[%get3A_193] {strides = array<i32>} : memref<16384xi32, #tpu.memory_space<vmem>>, vector<16xi32>,
          %shift_right_arithmetic3A_195 = arith.constant 14 : i32
          %shift_right_arithmetic3A_196 = vector.broadcast %shift_right_arithmetic3A_195 : i32 to vector<16xi32>
          %shift_right_arithmetic3A_197 = arith.shrsi %get3A_194, %shift_right_arithmetic3A_196 : vector<16xi32>
          %and3A_198 = arith.constant 16383 : i32
          %and3A_199 = vector.broadcast %and3A_198 : i32 to vector<16xi32>
          %and3A_200 = arith.andi %get3A_194, %and3A_199 : vector<16xi32>
          %convert_element_type3A_201 = arith.extui %eq3A_163 : vector<16xi1> to vector<16xi32>
          %broadcast_in_dim3A_202 = arith.constant true
          %broadcast_in_dim3A_203 = vector.broadcast %broadcast_in_dim3A_202 : i1 to vector<16xi1>
          %masked_cumsum3A = tpu.scan <sum>, %convert_element_type3A_201 masked %broadcast_in_dim3A_203 : vector<16xi32>, vector<16xi1> -> vector<16xi32>
          %sub3A = arith.constant 1 : i32
          %sub3A_204 = vector.broadcast %sub3A : i32 to vector<16xi32>
          %sub3A_205 = arith.subi %masked_cumsum3A, %sub3A_204 : vector<16xi32>
          %add3A_206 = vector.broadcast %while3A_159 : i32 to vector<16xi32>
          %add3A_207 = arith.addi %add3A_206, %sub3A_205 : vector<16xi32>
          %shift_right_arithmetic3A_208 = arith.constant 4 : i32
          %shift_right_arithmetic3A_209 = vector.broadcast %shift_right_arithmetic3A_208 : i32 to vector<16xi32>
          %shift_right_arithmetic3A_210 = arith.shrsi %add3A_207, %shift_right_arithmetic3A_209 : vector<16xi32>
          %and3A_211 = arith.constant 7 : i32
          %and3A_212 = vector.broadcast %and3A_211 : i32 to vector<16xi32>
          %and3A_213 = arith.andi %shift_right_arithmetic3A_210, %and3A_212 : vector<16xi32>
          %and3A_214 = arith.constant 15 : i32
          %and3A_215 = vector.broadcast %and3A_214 : i32 to vector<16xi32>
          %and3A_216 = arith.andi %add3A_207, %and3A_215 : vector<16xi32>
          tpu.vector_store_idx %arg11[%and3A_213, %and3A_216], %and3A_200 masked %eq3A_163 : memref<8x16xi32, #tpu.memory_space<vmem>>[vector<16xi32>, vector<16xi32>], vector<16xi32>, vector<16xi1>
          %while3A_217 = arith.constant 0 : i32
          %while3A_218 = arith.subi %squeeze3A, %while3A_217 : i32
          %while3A_219 = arith.addi %while3A_217, %while3A_218 : i32
          %while3A_220 = arith.constant 1 : i32
          %while3A_221 = arith.divsi %while3A_218, %while3A_220 : i32
          %while3A_222 = arith.muli %while3A_221, %while3A_220 : i32
          %while3A_223 = arith.addi %while3A_217, %while3A_222 : i32
          %while3A_224 = arith.constant 1 : i32
          %while3A_225 = scf.for %while3A_234 = %while3A_217 to %while3A_223 step %while3A_224 iter_args(%while3A_235 = %eq3A_163) -> (vector<16xi1>)  : i32 {
            %all_reduce_ffs3A = tpu.all_reduce %while3A_235 {dim = 0 : i64, kind = #tpu.reduction_kind<find_first_set>} : vector<16xi1> -> vector<16xi32>
            %eq3A_236 = arith.cmpi eq, %iota3A, %all_reduce_ffs3A : vector<16xi32>
            %jit3A_237 = arith.constant 0 : i32
            %broadcast_in_dim3A_238 = vector.broadcast %jit3A_237 : i32 to vector<16xi32>
            %select_n3A_239 = arith.select %eq3A_236, %shift_right_arithmetic3A_197, %broadcast_in_dim3A_238 : vector<16xi1>, vector<16xi32>
            %reduce_sum3A = arith.constant true
            %reduce_sum3A_240 = vector.broadcast %reduce_sum3A : i1 to vector<16xi1>
            %reduce_sum3A_241 = tpu.scan <sum>, %select_n3A_239 masked %reduce_sum3A_240 : vector<16xi32>, vector<16xi1> -> vector<16xi32>
            %reduce_sum3A_242 = vector.extract %reduce_sum3A_241[15] : i32 from vector<16xi32>
            %add3A_243 = arith.addi %while3A_159, %while3A_234 : i32
            %shift_right_arithmetic3A_244 = arith.constant 4 : i32
            %shift_right_arithmetic3A_245 = arith.shrsi %add3A_243, %shift_right_arithmetic3A_244 : i32
            %and3A_246 = arith.constant 7 : i32
            %and3A_247 = arith.andi %shift_right_arithmetic3A_245, %and3A_246 : i32
            %broadcast_in_dim3A_248 = vector.broadcast %and3A_247 : i32 to vector<16xi32>
            %and3A_249 = arith.constant 15 : i32
            %and3A_250 = arith.andi %add3A_243, %and3A_249 : i32
            %broadcast_in_dim3A_251 = vector.broadcast %and3A_250 : i32 to vector<16xi32>
            %add3A_252 = arith.constant 0 : i32
            %add3A_253 = vector.broadcast %add3A_252 : i32 to vector<16xi32>
            %add3A_254 = arith.addi %iota3A, %add3A_253 : vector<16xi32>
            %broadcast_in_dim3A_255 = vector.broadcast %rem3A_125 : i32 to vector<16xi32>
            %broadcast_in_dim3A_256 = vector.broadcast %reduce_sum3A_242 : i32 to vector<16xi32>
            %gather3A = tpu.vector_load_idx %arg9[%broadcast_in_dim3A_255, %add3A_254, %broadcast_in_dim3A_256] : memref<6x64x128xf32, #tpu.memory_space<vmem>>[vector<16xi32>, vector<16xi32>, vector<16xi32>], vector<16xf32>,
            tpu.vector_store_idx %arg10[%broadcast_in_dim3A_248, %broadcast_in_dim3A_251, %add3A_254], %gather3A : memref<8x16x128xf32, #tpu.memory_space<vmem>>[vector<16xi32>, vector<16xi32>, vector<16xi32>], vector<16xf32>,
            %add3A_257 = arith.constant 16 : i32
            %add3A_258 = vector.broadcast %add3A_257 : i32 to vector<16xi32>
            %add3A_259 = arith.addi %iota3A, %add3A_258 : vector<16xi32>
            %broadcast_in_dim3A_260 = vector.broadcast %rem3A_125 : i32 to vector<16xi32>
            %broadcast_in_dim3A_261 = vector.broadcast %reduce_sum3A_242 : i32 to vector<16xi32>
            %gather3A_262 = tpu.vector_load_idx %arg9[%broadcast_in_dim3A_260, %add3A_259, %broadcast_in_dim3A_261] : memref<6x64x128xf32, #tpu.memory_space<vmem>>[vector<16xi32>, vector<16xi32>, vector<16xi32>], vector<16xf32>,
            tpu.vector_store_idx %arg10[%broadcast_in_dim3A_248, %broadcast_in_dim3A_251, %add3A_259], %gather3A_262 : memref<8x16x128xf32, #tpu.memory_space<vmem>>[vector<16xi32>, vector<16xi32>, vector<16xi32>], vector<16xf32>,
            %add3A_263 = arith.constant 32 : i32
            %add3A_264 = vector.broadcast %add3A_263 : i32 to vector<16xi32>
            %add3A_265 = arith.addi %iota3A, %add3A_264 : vector<16xi32>
            %broadcast_in_dim3A_266 = vector.broadcast %rem3A_125 : i32 to vector<16xi32>
            %broadcast_in_dim3A_267 = vector.broadcast %reduce_sum3A_242 : i32 to vector<16xi32>
            %gather3A_268 = tpu.vector_load_idx %arg9[%broadcast_in_dim3A_266, %add3A_265, %broadcast_in_dim3A_267] : memref<6x64x128xf32, #tpu.memory_space<vmem>>[vector<16xi32>, vector<16xi32>, vector<16xi32>], vector<16xf32>,
            tpu.vector_store_idx %arg10[%broadcast_in_dim3A_248, %broadcast_in_dim3A_251, %add3A_265], %gather3A_268 : memref<8x16x128xf32, #tpu.memory_space<vmem>>[vector<16xi32>, vector<16xi32>, vector<16xi32>], vector<16xf32>,
            %add3A_269 = arith.constant 48 : i32
            %add3A_270 = vector.broadcast %add3A_269 : i32 to vector<16xi32>
            %add3A_271 = arith.addi %iota3A, %add3A_270 : vector<16xi32>
            %broadcast_in_dim3A_272 = vector.broadcast %rem3A_125 : i32 to vector<16xi32>
            %broadcast_in_dim3A_273 = vector.broadcast %reduce_sum3A_242 : i32 to vector<16xi32>
            %gather3A_274 = tpu.vector_load_idx %arg9[%broadcast_in_dim3A_272, %add3A_271, %broadcast_in_dim3A_273] : memref<6x64x128xf32, #tpu.memory_space<vmem>>[vector<16xi32>, vector<16xi32>, vector<16xi32>], vector<16xf32>,
            tpu.vector_store_idx %arg10[%broadcast_in_dim3A_248, %broadcast_in_dim3A_251, %add3A_271], %gather3A_274 : memref<8x16x128xf32, #tpu.memory_space<vmem>>[vector<16xi32>, vector<16xi32>, vector<16xi32>], vector<16xf32>,
            %ne3A = arith.cmpi ne, %iota3A, %all_reduce_ffs3A : vector<16xi32>
            %and3A_275 = arith.andi %while3A_235, %ne3A : vector<16xi1>
            scf.yield %and3A_275 : vector<16xi1>
          }
          %while3A_226 = arith.constant 1 : i32
          %while3A_227 = scf.for %while3A_234 = %while3A_223 to %while3A_219 step %while3A_226 iter_args(%while3A_235 = %while3A_225) -> (vector<16xi1>)  : i32 {
            %all_reduce_ffs3A = tpu.all_reduce %while3A_235 {dim = 0 : i64, kind = #tpu.reduction_kind<find_first_set>} : vector<16xi1> -> vector<16xi32>
            %eq3A_236 = arith.cmpi eq, %iota3A, %all_reduce_ffs3A : vector<16xi32>
            %jit3A_237 = arith.constant 0 : i32
            %broadcast_in_dim3A_238 = vector.broadcast %jit3A_237 : i32 to vector<16xi32>
            %select_n3A_239 = arith.select %eq3A_236, %shift_right_arithmetic3A_197, %broadcast_in_dim3A_238 : vector<16xi1>, vector<16xi32>
            %reduce_sum3A = arith.constant true
            %reduce_sum3A_240 = vector.broadcast %reduce_sum3A : i1 to vector<16xi1>
            %reduce_sum3A_241 = tpu.scan <sum>, %select_n3A_239 masked %reduce_sum3A_240 : vector<16xi32>, vector<16xi1> -> vector<16xi32>
            %reduce_sum3A_242 = vector.extract %reduce_sum3A_241[15] : i32 from vector<16xi32>
            %add3A_243 = arith.addi %while3A_159, %while3A_234 : i32
            %shift_right_arithmetic3A_244 = arith.constant 4 : i32
            %shift_right_arithmetic3A_245 = arith.shrsi %add3A_243, %shift_right_arithmetic3A_244 : i32
            %and3A_246 = arith.constant 7 : i32
            %and3A_247 = arith.andi %shift_right_arithmetic3A_245, %and3A_246 : i32
            %broadcast_in_dim3A_248 = vector.broadcast %and3A_247 : i32 to vector<16xi32>
            %and3A_249 = arith.constant 15 : i32
            %and3A_250 = arith.andi %add3A_243, %and3A_249 : i32
            %broadcast_in_dim3A_251 = vector.broadcast %and3A_250 : i32 to vector<16xi32>
            %add3A_252 = arith.constant 0 : i32
            %add3A_253 = vector.broadcast %add3A_252 : i32 to vector<16xi32>
            %add3A_254 = arith.addi %iota3A, %add3A_253 : vector<16xi32>
            %broadcast_in_dim3A_255 = vector.broadcast %rem3A_125 : i32 to vector<16xi32>
            %broadcast_in_dim3A_256 = vector.broadcast %reduce_sum3A_242 : i32 to vector<16xi32>
            %gather3A = tpu.vector_load_idx %arg9[%broadcast_in_dim3A_255, %add3A_254, %broadcast_in_dim3A_256] : memref<6x64x128xf32, #tpu.memory_space<vmem>>[vector<16xi32>, vector<16xi32>, vector<16xi32>], vector<16xf32>,
            tpu.vector_store_idx %arg10[%broadcast_in_dim3A_248, %broadcast_in_dim3A_251, %add3A_254], %gather3A : memref<8x16x128xf32, #tpu.memory_space<vmem>>[vector<16xi32>, vector<16xi32>, vector<16xi32>], vector<16xf32>,
            %add3A_257 = arith.constant 16 : i32
            %add3A_258 = vector.broadcast %add3A_257 : i32 to vector<16xi32>
            %add3A_259 = arith.addi %iota3A, %add3A_258 : vector<16xi32>
            %broadcast_in_dim3A_260 = vector.broadcast %rem3A_125 : i32 to vector<16xi32>
            %broadcast_in_dim3A_261 = vector.broadcast %reduce_sum3A_242 : i32 to vector<16xi32>
            %gather3A_262 = tpu.vector_load_idx %arg9[%broadcast_in_dim3A_260, %add3A_259, %broadcast_in_dim3A_261] : memref<6x64x128xf32, #tpu.memory_space<vmem>>[vector<16xi32>, vector<16xi32>, vector<16xi32>], vector<16xf32>,
            tpu.vector_store_idx %arg10[%broadcast_in_dim3A_248, %broadcast_in_dim3A_251, %add3A_259], %gather3A_262 : memref<8x16x128xf32, #tpu.memory_space<vmem>>[vector<16xi32>, vector<16xi32>, vector<16xi32>], vector<16xf32>,
            %add3A_263 = arith.constant 32 : i32
            %add3A_264 = vector.broadcast %add3A_263 : i32 to vector<16xi32>
            %add3A_265 = arith.addi %iota3A, %add3A_264 : vector<16xi32>
            %broadcast_in_dim3A_266 = vector.broadcast %rem3A_125 : i32 to vector<16xi32>
            %broadcast_in_dim3A_267 = vector.broadcast %reduce_sum3A_242 : i32 to vector<16xi32>
            %gather3A_268 = tpu.vector_load_idx %arg9[%broadcast_in_dim3A_266, %add3A_265, %broadcast_in_dim3A_267] : memref<6x64x128xf32, #tpu.memory_space<vmem>>[vector<16xi32>, vector<16xi32>, vector<16xi32>], vector<16xf32>,
            tpu.vector_store_idx %arg10[%broadcast_in_dim3A_248, %broadcast_in_dim3A_251, %add3A_265], %gather3A_268 : memref<8x16x128xf32, #tpu.memory_space<vmem>>[vector<16xi32>, vector<16xi32>, vector<16xi32>], vector<16xf32>,
            %add3A_269 = arith.constant 48 : i32
            %add3A_270 = vector.broadcast %add3A_269 : i32 to vector<16xi32>
            %add3A_271 = arith.addi %iota3A, %add3A_270 : vector<16xi32>
            %broadcast_in_dim3A_272 = vector.broadcast %rem3A_125 : i32 to vector<16xi32>
            %broadcast_in_dim3A_273 = vector.broadcast %reduce_sum3A_242 : i32 to vector<16xi32>
            %gather3A_274 = tpu.vector_load_idx %arg9[%broadcast_in_dim3A_272, %add3A_271, %broadcast_in_dim3A_273] : memref<6x64x128xf32, #tpu.memory_space<vmem>>[vector<16xi32>, vector<16xi32>, vector<16xi32>], vector<16xf32>,
            tpu.vector_store_idx %arg10[%broadcast_in_dim3A_248, %broadcast_in_dim3A_251, %add3A_271], %gather3A_274 : memref<8x16x128xf32, #tpu.memory_space<vmem>>[vector<16xi32>, vector<16xi32>, vector<16xi32>], vector<16xf32>,
            %ne3A = arith.cmpi ne, %iota3A, %all_reduce_ffs3A : vector<16xi32>
            %and3A_275 = arith.andi %while3A_235, %ne3A : vector<16xi1>
            scf.yield %and3A_275 : vector<16xi1>
          }
          %add3A_228 = arith.addi %and3A_171, %squeeze3A : i32
          %ge3A_229 = arith.constant 16 : i32
          %ge3A_230 = arith.cmpi sge, %add3A_228, %ge3A_229 : i32
          %convert_element_type3A_231 = arith.extui %ge3A_230 : i1 to i32
          %cond3A_232 = arith.constant 0 : i32
          %cond3A_233 = arith.cmpi ne, %convert_element_type3A_231, %cond3A_232 : i32
          scf.if %cond3A_233 {
            %and3A_234 = arith.constant 7 : i32
            %and3A_235 = arith.andi %shift_right_arithmetic3A_173, %and3A_234 : i32
            %dma_start3A = arith.constant 0 : i32
            %dma_start3A_236 = arith.constant 0 : i32
            %dma_start3A_237 = tpu.memref_slice %arg10[%and3A_235, %dma_start3A, %dma_start3A_236] : memref<8x16x128xf32, #tpu.memory_space<vmem>> -> memref<1x16x128xf32, #tpu.memory_space<vmem>>
            %dma_start3A_238 = tpu.memref_squeeze %dma_start3A_237 : memref<1x16x128xf32, #tpu.memory_space<vmem>> -> memref<16x128xf32, #tpu.memory_space<vmem>>
            %dma_start3A_239 = arith.constant 0 : i32
            %dma_start3A_240 = tpu.memref_slice %arg11[%and3A_235, %dma_start3A_239] : memref<8x16xi32, #tpu.memory_space<vmem>> -> memref<1x16xi32, #tpu.memory_space<vmem>>
            %dma_start3A_241 = tpu.memref_squeeze %dma_start3A_240 : memref<1x16xi32, #tpu.memory_space<vmem>> -> memref<16xi32, #tpu.memory_space<vmem>>
            %dma_start3A_242 = arith.constant 0 : i32
            %dma_start3A_243 = arith.constant 0 : i32
            %dma_start3A_244 = tpu.memref_slice %arg5[%dma_start3A_242, %dma_start3A_243] : memref<16400x128xf32, #tpu.memory_space<hbm>> -> memref<16400x128xf32, #tpu.memory_space<hbm>>
            %dma_start3A_245 = tpu.memref_slice %arg13[%and3A_235] : memref<8x!tpu.dma_semaphore, #tpu.memory_space<semaphore_mem>> -> memref<1x!tpu.dma_semaphore, #tpu.memory_space<semaphore_mem>>
            %dma_start3A_246 = tpu.memref_squeeze %dma_start3A_245 : memref<1x!tpu.dma_semaphore, #tpu.memory_space<semaphore_mem>> -> memref<!tpu.dma_semaphore, #tpu.memory_space<semaphore_mem>>
            tpu.enqueue_indirect_dma source(%dma_start3A_238 : memref<16x128xf32, #tpu.memory_space<vmem>>) target(%dma_start3A_244 : memref<16400x128xf32, #tpu.memory_space<hbm>>) offsets(%dma_start3A_241 : memref<16xi32, #tpu.memory_space<vmem>>) semaphore(%dma_start3A_246 : memref<!tpu.dma_semaphore, #tpu.memory_space<semaphore_mem>>)
          } else {
          }
        } else {
        }
        %add3A_169 = arith.addi %while3A_159, %squeeze3A : i32
        scf.yield %add3A_169 : i32
      }
      %while3A_150 = arith.constant 1 : i32
      %while3A_151 = scf.for %while3A_158 = %while3A_147 to %while3A_143 step %while3A_150 iter_args(%while3A_159 = %while3A_149) -> (i32)  : i32 {
        %mul3A_160 = arith.constant 16 : i32
        %mul3A_161 = arith.muli %while3A_158, %mul3A_160 : i32
        %get3A = arith.index_cast %mul3A_161 : i32 to index
        %get3A_162 = tpu.vector_load %arg7[%get3A] {strides = array<i32>} : memref<16384xi32, #tpu.memory_space<vmem>>, vector<16xi32>,
        %eq3A = vector.broadcast %while3A_123 : i32 to vector<16xi32>
        %eq3A_163 = arith.cmpi eq, %get3A_162, %eq3A : vector<16xi32>
        %all_reduce_population_count3A = tpu.all_reduce %eq3A_163 {dim = 0 : i64, kind = #tpu.reduction_kind<sum>} : vector<16xi1> -> vector<16xi32>
        %slice3A = vector.extract_strided_slice %all_reduce_population_count3A {offsets = [0], sizes = [1], strides = [1]} : vector<16xi32> to vector<1xi32>
        %squeeze3A = vector.extract %slice3A[0] : i32 from vector<1xi32>
        %gt3A_164 = arith.constant 0 : i32
        %gt3A_165 = arith.cmpi sgt, %squeeze3A, %gt3A_164 : i32
        %convert_element_type3A_166 = arith.extui %gt3A_165 : i1 to i32
        %cond3A_167 = arith.constant 0 : i32
        %cond3A_168 = arith.cmpi ne, %convert_element_type3A_166, %cond3A_167 : i32
        scf.if %cond3A_168 {
          %and3A_170 = arith.constant 15 : i32
          %and3A_171 = arith.andi %while3A_159, %and3A_170 : i32
          %shift_right_arithmetic3A_172 = arith.constant 4 : i32
          %shift_right_arithmetic3A_173 = arith.shrsi %while3A_159, %shift_right_arithmetic3A_172 : i32
          %gt3A_174 = arith.constant 0 : i32
          %gt3A_175 = arith.cmpi sgt, %and3A_171, %gt3A_174 : i32
          %jit3A_176 = arith.constant 1 : i32
          %jit3A_177 = arith.constant 0 : i32
          %select_n3A_178 = arith.select %gt3A_175, %jit3A_176, %jit3A_177 : i32
          %add3A_179 = arith.addi %shift_right_arithmetic3A_173, %select_n3A_178 : i32
          %eq3A_180 = arith.constant 0 : i32
          %eq3A_181 = arith.cmpi eq, %and3A_171, %eq3A_180 : i32
          %add3A_182 = arith.addi %and3A_171, %squeeze3A : i32
          %ge3A_183 = arith.constant 17 : i32
          %ge3A_184 = arith.cmpi sge, %add3A_182, %ge3A_183 : i32
          %or3A = arith.ori %eq3A_181, %ge3A_184 : i1
          %ge3A_185 = arith.constant 8 : i32
          %ge3A_186 = arith.cmpi sge, %add3A_179, %ge3A_185 : i32
          %and3A_187 = arith.andi %or3A, %ge3A_186 : i1
          %convert_element_type3A_188 = arith.extui %and3A_187 : i1 to i32
          %cond3A_189 = arith.constant 0 : i32
          %cond3A_190 = arith.cmpi ne, %convert_element_type3A_188, %cond3A_189 : i32
          scf.if %cond3A_190 {
            %and3A_234 = arith.constant 7 : i32
            %and3A_235 = arith.andi %add3A_179, %and3A_234 : i32
            %dma_wait3A_236 = arith.constant 0 : i32
            %dma_wait3A_237 = arith.constant 0 : i32
            %dma_wait3A_238 = arith.constant 0 : i32
            %dma_wait3A_239 = tpu.memref_slice %arg10[%dma_wait3A_236, %dma_wait3A_237, %dma_wait3A_238] : memref<8x16x128xf32, #tpu.memory_space<vmem>> -> memref<1x16x128xf32, #tpu.memory_space<vmem>>
            %dma_wait3A_240 = tpu.memref_squeeze %dma_wait3A_239 : memref<1x16x128xf32, #tpu.memory_space<vmem>> -> memref<16x128xf32, #tpu.memory_space<vmem>>
            %dma_wait3A_241 = arith.constant 0 : i32
            %dma_wait3A_242 = arith.constant 0 : i32
            %dma_wait3A_243 = tpu.memref_slice %arg5[%dma_wait3A_241, %dma_wait3A_242] : memref<16400x128xf32, #tpu.memory_space<hbm>> -> memref<16x128xf32, #tpu.memory_space<hbm>>
            %dma_wait3A_244 = tpu.memref_slice %arg13[%and3A_235] : memref<8x!tpu.dma_semaphore, #tpu.memory_space<semaphore_mem>> -> memref<1x!tpu.dma_semaphore, #tpu.memory_space<semaphore_mem>>
            %dma_wait3A_245 = tpu.memref_squeeze %dma_wait3A_244 : memref<1x!tpu.dma_semaphore, #tpu.memory_space<semaphore_mem>> -> memref<!tpu.dma_semaphore, #tpu.memory_space<semaphore_mem>>
            %dma_wait3A_246 = arith.constant 0 : i32
            %dma_wait3A_247 = arith.constant 0 : i32
            %dma_wait3A_248 = tpu.memref_slice %arg5[%dma_wait3A_246, %dma_wait3A_247] : memref<16400x128xf32, #tpu.memory_space<hbm>> -> memref<16x128xf32, #tpu.memory_space<hbm>>
            %dma_wait3A_249 = arith.constant 0 : i32
            %dma_wait3A_250 = arith.constant 0 : i32
            %dma_wait3A_251 = tpu.memref_slice %arg10[%dma_wait3A_236, %dma_wait3A_249, %dma_wait3A_250] : memref<8x16x128xf32, #tpu.memory_space<vmem>> -> memref<1x16x128xf32, #tpu.memory_space<vmem>>
            %dma_wait3A_252 = tpu.memref_squeeze %dma_wait3A_251 : memref<1x16x128xf32, #tpu.memory_space<vmem>> -> memref<16x128xf32, #tpu.memory_space<vmem>>
            tpu.wait_dma2 semaphore(%dma_wait3A_245 : memref<!tpu.dma_semaphore, #tpu.memory_space<semaphore_mem>>) src(%dma_wait3A_252 : memref<16x128xf32, #tpu.memory_space<vmem>>) dst(%dma_wait3A_248 : memref<16x128xf32, #tpu.memory_space<hbm>>)
          } else {
          }
          %mul3A_191 = arith.constant 16 : i32
          %mul3A_192 = arith.muli %while3A_158, %mul3A_191 : i32
          %get3A_193 = arith.index_cast %mul3A_192 : i32 to index
          %get3A_194 = tpu.vector_load %arg8[%get3A_193] {strides = array<i32>} : memref<16384xi32, #tpu.memory_space<vmem>>, vector<16xi32>,
          %shift_right_arithmetic3A_195 = arith.constant 14 : i32
          %shift_right_arithmetic3A_196 = vector.broadcast %shift_right_arithmetic3A_195 : i32 to vector<16xi32>
          %shift_right_arithmetic3A_197 = arith.shrsi %get3A_194, %shift_right_arithmetic3A_196 : vector<16xi32>
          %and3A_198 = arith.constant 16383 : i32
          %and3A_199 = vector.broadcast %and3A_198 : i32 to vector<16xi32>
          %and3A_200 = arith.andi %get3A_194, %and3A_199 : vector<16xi32>
          %convert_element_type3A_201 = arith.extui %eq3A_163 : vector<16xi1> to vector<16xi32>
          %broadcast_in_dim3A_202 = arith.constant true
          %broadcast_in_dim3A_203 = vector.broadcast %broadcast_in_dim3A_202 : i1 to vector<16xi1>
          %masked_cumsum3A = tpu.scan <sum>, %convert_element_type3A_201 masked %broadcast_in_dim3A_203 : vector<16xi32>, vector<16xi1> -> vector<16xi32>
          %sub3A = arith.constant 1 : i32
          %sub3A_204 = vector.broadcast %sub3A : i32 to vector<16xi32>
          %sub3A_205 = arith.subi %masked_cumsum3A, %sub3A_204 : vector<16xi32>
          %add3A_206 = vector.broadcast %while3A_159 : i32 to vector<16xi32>
          %add3A_207 = arith.addi %add3A_206, %sub3A_205 : vector<16xi32>
          %shift_right_arithmetic3A_208 = arith.constant 4 : i32
          %shift_right_arithmetic3A_209 = vector.broadcast %shift_right_arithmetic3A_208 : i32 to vector<16xi32>
          %shift_right_arithmetic3A_210 = arith.shrsi %add3A_207, %shift_right_arithmetic3A_209 : vector<16xi32>
          %and3A_211 = arith.constant 7 : i32
          %and3A_212 = vector.broadcast %and3A_211 : i32 to vector<16xi32>
          %and3A_213 = arith.andi %shift_right_arithmetic3A_210, %and3A_212 : vector<16xi32>
          %and3A_214 = arith.constant 15 : i32
          %and3A_215 = vector.broadcast %and3A_214 : i32 to vector<16xi32>
          %and3A_216 = arith.andi %add3A_207, %and3A_215 : vector<16xi32>
          tpu.vector_store_idx %arg11[%and3A_213, %and3A_216], %and3A_200 masked %eq3A_163 : memref<8x16xi32, #tpu.memory_space<vmem>>[vector<16xi32>, vector<16xi32>], vector<16xi32>, vector<16xi1>
          %while3A_217 = arith.constant 0 : i32
          %while3A_218 = arith.subi %squeeze3A, %while3A_217 : i32
          %while3A_219 = arith.addi %while3A_217, %while3A_218 : i32
          %while3A_220 = arith.constant 1 : i32
          %while3A_221 = arith.divsi %while3A_218, %while3A_220 : i32
          %while3A_222 = arith.muli %while3A_221, %while3A_220 : i32
          %while3A_223 = arith.addi %while3A_217, %while3A_222 : i32
          %while3A_224 = arith.constant 1 : i32
          %while3A_225 = scf.for %while3A_234 = %while3A_217 to %while3A_223 step %while3A_224 iter_args(%while3A_235 = %eq3A_163) -> (vector<16xi1>)  : i32 {
            %all_reduce_ffs3A = tpu.all_reduce %while3A_235 {dim = 0 : i64, kind = #tpu.reduction_kind<find_first_set>} : vector<16xi1> -> vector<16xi32>
            %eq3A_236 = arith.cmpi eq, %iota3A, %all_reduce_ffs3A : vector<16xi32>
            %jit3A_237 = arith.constant 0 : i32
            %broadcast_in_dim3A_238 = vector.broadcast %jit3A_237 : i32 to vector<16xi32>
            %select_n3A_239 = arith.select %eq3A_236, %shift_right_arithmetic3A_197, %broadcast_in_dim3A_238 : vector<16xi1>, vector<16xi32>
            %reduce_sum3A = arith.constant true
            %reduce_sum3A_240 = vector.broadcast %reduce_sum3A : i1 to vector<16xi1>
            %reduce_sum3A_241 = tpu.scan <sum>, %select_n3A_239 masked %reduce_sum3A_240 : vector<16xi32>, vector<16xi1> -> vector<16xi32>
            %reduce_sum3A_242 = vector.extract %reduce_sum3A_241[15] : i32 from vector<16xi32>
            %add3A_243 = arith.addi %while3A_159, %while3A_234 : i32
            %shift_right_arithmetic3A_244 = arith.constant 4 : i32
            %shift_right_arithmetic3A_245 = arith.shrsi %add3A_243, %shift_right_arithmetic3A_244 : i32
            %and3A_246 = arith.constant 7 : i32
            %and3A_247 = arith.andi %shift_right_arithmetic3A_245, %and3A_246 : i32
            %broadcast_in_dim3A_248 = vector.broadcast %and3A_247 : i32 to vector<16xi32>
            %and3A_249 = arith.constant 15 : i32
            %and3A_250 = arith.andi %add3A_243, %and3A_249 : i32
            %broadcast_in_dim3A_251 = vector.broadcast %and3A_250 : i32 to vector<16xi32>
            %add3A_252 = arith.constant 0 : i32
            %add3A_253 = vector.broadcast %add3A_252 : i32 to vector<16xi32>
            %add3A_254 = arith.addi %iota3A, %add3A_253 : vector<16xi32>
            %broadcast_in_dim3A_255 = vector.broadcast %rem3A_125 : i32 to vector<16xi32>
            %broadcast_in_dim3A_256 = vector.broadcast %reduce_sum3A_242 : i32 to vector<16xi32>
            %gather3A = tpu.vector_load_idx %arg9[%broadcast_in_dim3A_255, %add3A_254, %broadcast_in_dim3A_256] : memref<6x64x128xf32, #tpu.memory_space<vmem>>[vector<16xi32>, vector<16xi32>, vector<16xi32>], vector<16xf32>,
            tpu.vector_store_idx %arg10[%broadcast_in_dim3A_248, %broadcast_in_dim3A_251, %add3A_254], %gather3A : memref<8x16x128xf32, #tpu.memory_space<vmem>>[vector<16xi32>, vector<16xi32>, vector<16xi32>], vector<16xf32>,
            %add3A_257 = arith.constant 16 : i32
            %add3A_258 = vector.broadcast %add3A_257 : i32 to vector<16xi32>
            %add3A_259 = arith.addi %iota3A, %add3A_258 : vector<16xi32>
            %broadcast_in_dim3A_260 = vector.broadcast %rem3A_125 : i32 to vector<16xi32>
            %broadcast_in_dim3A_261 = vector.broadcast %reduce_sum3A_242 : i32 to vector<16xi32>
            %gather3A_262 = tpu.vector_load_idx %arg9[%broadcast_in_dim3A_260, %add3A_259, %broadcast_in_dim3A_261] : memref<6x64x128xf32, #tpu.memory_space<vmem>>[vector<16xi32>, vector<16xi32>, vector<16xi32>], vector<16xf32>,
            tpu.vector_store_idx %arg10[%broadcast_in_dim3A_248, %broadcast_in_dim3A_251, %add3A_259], %gather3A_262 : memref<8x16x128xf32, #tpu.memory_space<vmem>>[vector<16xi32>, vector<16xi32>, vector<16xi32>], vector<16xf32>,
            %add3A_263 = arith.constant 32 : i32
            %add3A_264 = vector.broadcast %add3A_263 : i32 to vector<16xi32>
            %add3A_265 = arith.addi %iota3A, %add3A_264 : vector<16xi32>
            %broadcast_in_dim3A_266 = vector.broadcast %rem3A_125 : i32 to vector<16xi32>
            %broadcast_in_dim3A_267 = vector.broadcast %reduce_sum3A_242 : i32 to vector<16xi32>
            %gather3A_268 = tpu.vector_load_idx %arg9[%broadcast_in_dim3A_266, %add3A_265, %broadcast_in_dim3A_267] : memref<6x64x128xf32, #tpu.memory_space<vmem>>[vector<16xi32>, vector<16xi32>, vector<16xi32>], vector<16xf32>,
            tpu.vector_store_idx %arg10[%broadcast_in_dim3A_248, %broadcast_in_dim3A_251, %add3A_265], %gather3A_268 : memref<8x16x128xf32, #tpu.memory_space<vmem>>[vector<16xi32>, vector<16xi32>, vector<16xi32>], vector<16xf32>,
            %add3A_269 = arith.constant 48 : i32
            %add3A_270 = vector.broadcast %add3A_269 : i32 to vector<16xi32>
            %add3A_271 = arith.addi %iota3A, %add3A_270 : vector<16xi32>
            %broadcast_in_dim3A_272 = vector.broadcast %rem3A_125 : i32 to vector<16xi32>
            %broadcast_in_dim3A_273 = vector.broadcast %reduce_sum3A_242 : i32 to vector<16xi32>
            %gather3A_274 = tpu.vector_load_idx %arg9[%broadcast_in_dim3A_272, %add3A_271, %broadcast_in_dim3A_273] : memref<6x64x128xf32, #tpu.memory_space<vmem>>[vector<16xi32>, vector<16xi32>, vector<16xi32>], vector<16xf32>,
            tpu.vector_store_idx %arg10[%broadcast_in_dim3A_248, %broadcast_in_dim3A_251, %add3A_271], %gather3A_274 : memref<8x16x128xf32, #tpu.memory_space<vmem>>[vector<16xi32>, vector<16xi32>, vector<16xi32>], vector<16xf32>,
            %ne3A = arith.cmpi ne, %iota3A, %all_reduce_ffs3A : vector<16xi32>
            %and3A_275 = arith.andi %while3A_235, %ne3A : vector<16xi1>
            scf.yield %and3A_275 : vector<16xi1>
          }
          %while3A_226 = arith.constant 1 : i32
          %while3A_227 = scf.for %while3A_234 = %while3A_223 to %while3A_219 step %while3A_226 iter_args(%while3A_235 = %while3A_225) -> (vector<16xi1>)  : i32 {
            %all_reduce_ffs3A = tpu.all_reduce %while3A_235 {dim = 0 : i64, kind = #tpu.reduction_kind<find_first_set>} : vector<16xi1> -> vector<16xi32>
            %eq3A_236 = arith.cmpi eq, %iota3A, %all_reduce_ffs3A : vector<16xi32>
            %jit3A_237 = arith.constant 0 : i32
            %broadcast_in_dim3A_238 = vector.broadcast %jit3A_237 : i32 to vector<16xi32>
            %select_n3A_239 = arith.select %eq3A_236, %shift_right_arithmetic3A_197, %broadcast_in_dim3A_238 : vector<16xi1>, vector<16xi32>
            %reduce_sum3A = arith.constant true
            %reduce_sum3A_240 = vector.broadcast %reduce_sum3A : i1 to vector<16xi1>
            %reduce_sum3A_241 = tpu.scan <sum>, %select_n3A_239 masked %reduce_sum3A_240 : vector<16xi32>, vector<16xi1> -> vector<16xi32>
            %reduce_sum3A_242 = vector.extract %reduce_sum3A_241[15] : i32 from vector<16xi32>
            %add3A_243 = arith.addi %while3A_159, %while3A_234 : i32
            %shift_right_arithmetic3A_244 = arith.constant 4 : i32
            %shift_right_arithmetic3A_245 = arith.shrsi %add3A_243, %shift_right_arithmetic3A_244 : i32
            %and3A_246 = arith.constant 7 : i32
            %and3A_247 = arith.andi %shift_right_arithmetic3A_245, %and3A_246 : i32
            %broadcast_in_dim3A_248 = vector.broadcast %and3A_247 : i32 to vector<16xi32>
            %and3A_249 = arith.constant 15 : i32
            %and3A_250 = arith.andi %add3A_243, %and3A_249 : i32
            %broadcast_in_dim3A_251 = vector.broadcast %and3A_250 : i32 to vector<16xi32>
            %add3A_252 = arith.constant 0 : i32
            %add3A_253 = vector.broadcast %add3A_252 : i32 to vector<16xi32>
            %add3A_254 = arith.addi %iota3A, %add3A_253 : vector<16xi32>
            %broadcast_in_dim3A_255 = vector.broadcast %rem3A_125 : i32 to vector<16xi32>
            %broadcast_in_dim3A_256 = vector.broadcast %reduce_sum3A_242 : i32 to vector<16xi32>
            %gather3A = tpu.vector_load_idx %arg9[%broadcast_in_dim3A_255, %add3A_254, %broadcast_in_dim3A_256] : memref<6x64x128xf32, #tpu.memory_space<vmem>>[vector<16xi32>, vector<16xi32>, vector<16xi32>], vector<16xf32>,
            tpu.vector_store_idx %arg10[%broadcast_in_dim3A_248, %broadcast_in_dim3A_251, %add3A_254], %gather3A : memref<8x16x128xf32, #tpu.memory_space<vmem>>[vector<16xi32>, vector<16xi32>, vector<16xi32>], vector<16xf32>,
            %add3A_257 = arith.constant 16 : i32
            %add3A_258 = vector.broadcast %add3A_257 : i32 to vector<16xi32>
            %add3A_259 = arith.addi %iota3A, %add3A_258 : vector<16xi32>
            %broadcast_in_dim3A_260 = vector.broadcast %rem3A_125 : i32 to vector<16xi32>
            %broadcast_in_dim3A_261 = vector.broadcast %reduce_sum3A_242 : i32 to vector<16xi32>
            %gather3A_262 = tpu.vector_load_idx %arg9[%broadcast_in_dim3A_260, %add3A_259, %broadcast_in_dim3A_261] : memref<6x64x128xf32, #tpu.memory_space<vmem>>[vector<16xi32>, vector<16xi32>, vector<16xi32>], vector<16xf32>,
            tpu.vector_store_idx %arg10[%broadcast_in_dim3A_248, %broadcast_in_dim3A_251, %add3A_259], %gather3A_262 : memref<8x16x128xf32, #tpu.memory_space<vmem>>[vector<16xi32>, vector<16xi32>, vector<16xi32>], vector<16xf32>,
            %add3A_263 = arith.constant 32 : i32
            %add3A_264 = vector.broadcast %add3A_263 : i32 to vector<16xi32>
            %add3A_265 = arith.addi %iota3A, %add3A_264 : vector<16xi32>
            %broadcast_in_dim3A_266 = vector.broadcast %rem3A_125 : i32 to vector<16xi32>
            %broadcast_in_dim3A_267 = vector.broadcast %reduce_sum3A_242 : i32 to vector<16xi32>
            %gather3A_268 = tpu.vector_load_idx %arg9[%broadcast_in_dim3A_266, %add3A_265, %broadcast_in_dim3A_267] : memref<6x64x128xf32, #tpu.memory_space<vmem>>[vector<16xi32>, vector<16xi32>, vector<16xi32>], vector<16xf32>,
            tpu.vector_store_idx %arg10[%broadcast_in_dim3A_248, %broadcast_in_dim3A_251, %add3A_265], %gather3A_268 : memref<8x16x128xf32, #tpu.memory_space<vmem>>[vector<16xi32>, vector<16xi32>, vector<16xi32>], vector<16xf32>,
            %add3A_269 = arith.constant 48 : i32
            %add3A_270 = vector.broadcast %add3A_269 : i32 to vector<16xi32>
            %add3A_271 = arith.addi %iota3A, %add3A_270 : vector<16xi32>
            %broadcast_in_dim3A_272 = vector.broadcast %rem3A_125 : i32 to vector<16xi32>
            %broadcast_in_dim3A_273 = vector.broadcast %reduce_sum3A_242 : i32 to vector<16xi32>
            %gather3A_274 = tpu.vector_load_idx %arg9[%broadcast_in_dim3A_272, %add3A_271, %broadcast_in_dim3A_273] : memref<6x64x128xf32, #tpu.memory_space<vmem>>[vector<16xi32>, vector<16xi32>, vector<16xi32>], vector<16xf32>,
            tpu.vector_store_idx %arg10[%broadcast_in_dim3A_248, %broadcast_in_dim3A_251, %add3A_271], %gather3A_274 : memref<8x16x128xf32, #tpu.memory_space<vmem>>[vector<16xi32>, vector<16xi32>, vector<16xi32>], vector<16xf32>,
            %ne3A = arith.cmpi ne, %iota3A, %all_reduce_ffs3A : vector<16xi32>
            %and3A_275 = arith.andi %while3A_235, %ne3A : vector<16xi1>
            scf.yield %and3A_275 : vector<16xi1>
          }
          %add3A_228 = arith.addi %and3A_171, %squeeze3A : i32
          %ge3A_229 = arith.constant 16 : i32
          %ge3A_230 = arith.cmpi sge, %add3A_228, %ge3A_229 : i32
          %convert_element_type3A_231 = arith.extui %ge3A_230 : i1 to i32
          %cond3A_232 = arith.constant 0 : i32
          %cond3A_233 = arith.cmpi ne, %convert_element_type3A_231, %cond3A_232 : i32
          scf.if %cond3A_233 {
            %and3A_234 = arith.constant 7 : i32
            %and3A_235 = arith.andi %shift_right_arithmetic3A_173, %and3A_234 : i32
            %dma_start3A = arith.constant 0 : i32
            %dma_start3A_236 = arith.constant 0 : i32
            %dma_start3A_237 = tpu.memref_slice %arg10[%and3A_235, %dma_start3A, %dma_start3A_236] : memref<8x16x128xf32, #tpu.memory_space<vmem>> -> memref<1x16x128xf32, #tpu.memory_space<vmem>>
            %dma_start3A_238 = tpu.memref_squeeze %dma_start3A_237 : memref<1x16x128xf32, #tpu.memory_space<vmem>> -> memref<16x128xf32, #tpu.memory_space<vmem>>
            %dma_start3A_239 = arith.constant 0 : i32
            %dma_start3A_240 = tpu.memref_slice %arg11[%and3A_235, %dma_start3A_239] : memref<8x16xi32, #tpu.memory_space<vmem>> -> memref<1x16xi32, #tpu.memory_space<vmem>>
            %dma_start3A_241 = tpu.memref_squeeze %dma_start3A_240 : memref<1x16xi32, #tpu.memory_space<vmem>> -> memref<16xi32, #tpu.memory_space<vmem>>
            %dma_start3A_242 = arith.constant 0 : i32
            %dma_start3A_243 = arith.constant 0 : i32
            %dma_start3A_244 = tpu.memref_slice %arg5[%dma_start3A_242, %dma_start3A_243] : memref<16400x128xf32, #tpu.memory_space<hbm>> -> memref<16400x128xf32, #tpu.memory_space<hbm>>
            %dma_start3A_245 = tpu.memref_slice %arg13[%and3A_235] : memref<8x!tpu.dma_semaphore, #tpu.memory_space<semaphore_mem>> -> memref<1x!tpu.dma_semaphore, #tpu.memory_space<semaphore_mem>>
            %dma_start3A_246 = tpu.memref_squeeze %dma_start3A_245 : memref<1x!tpu.dma_semaphore, #tpu.memory_space<semaphore_mem>> -> memref<!tpu.dma_semaphore, #tpu.memory_space<semaphore_mem>>
            tpu.enqueue_indirect_dma source(%dma_start3A_238 : memref<16x128xf32, #tpu.memory_space<vmem>>) target(%dma_start3A_244 : memref<16400x128xf32, #tpu.memory_space<hbm>>) offsets(%dma_start3A_241 : memref<16xi32, #tpu.memory_space<vmem>>) semaphore(%dma_start3A_246 : memref<!tpu.dma_semaphore, #tpu.memory_space<semaphore_mem>>)
          } else {
          }
        } else {
        }
        %add3A_169 = arith.addi %while3A_159, %squeeze3A : i32
        scf.yield %add3A_169 : i32
      }
      %add3A_152 = arith.constant 6 : i32
      %add3A_153 = arith.addi %while3A_123, %add3A_152 : i32
      %lt3A_154 = arith.cmpi slt, %add3A_153, %add3A_4 : i32
      %convert_element_type3A_155 = arith.extui %lt3A_154 : i1 to i32
      %cond3A_156 = arith.constant 0 : i32
      %cond3A_157 = arith.cmpi ne, %convert_element_type3A_155, %cond3A_156 : i32
      scf.if %cond3A_157 {
        %add3A_158 = arith.constant 6 : i32
        %add3A_159 = arith.addi %while3A_123, %add3A_158 : i32
        %mul3A_160 = arith.constant 32 : i32
        %mul3A_161 = arith.muli %add3A_159, %mul3A_160 : i32
        %add3A_162 = arith.addi %add3A, %mul3A_161 : i32
        %lt3A_163 = arith.constant 7812 : i32
        %lt3A_164 = arith.cmpi slt, %add3A_162, %lt3A_163 : i32
        %convert_element_type3A_165 = arith.extui %lt3A_164 : i1 to i32
        %cond3A_166 = arith.constant 0 : i32
        %cond3A_167 = arith.cmpi ne, %convert_element_type3A_165, %cond3A_166 : i32
        scf.if %cond3A_167 {
          %mul3A_173 = arith.constant 128 : i32
          %mul3A_174 = arith.muli %add3A_162, %mul3A_173 : i32
          %multiple_of3A = tpu.assume_multiple %mul3A_174, 128 : i32
          %dma_start3A = arith.constant 0 : i32
          %dma_start3A_175 = arith.constant 0 : i32
          %dma_start3A_176 = tpu.memref_slice %arg9[%rem3A_125, %dma_start3A, %dma_start3A_175] : memref<6x64x128xf32, #tpu.memory_space<vmem>> -> memref<1x64x128xf32, #tpu.memory_space<vmem>>
          %dma_start3A_177 = tpu.memref_squeeze %dma_start3A_176 : memref<1x64x128xf32, #tpu.memory_space<vmem>> -> memref<64x128xf32, #tpu.memory_space<vmem>>
          %dma_start3A_178 = arith.constant 0 : i32
          %dma_start3A_179 = tpu.memref_slice %arg3[%dma_start3A_178, %multiple_of3A] : memref<64x1000000xf32, #tpu.memory_space<hbm>> -> memref<64x128xf32, #tpu.memory_space<hbm>>
          %dma_start3A_180 = tpu.memref_slice %arg12[%rem3A_125] : memref<6x!tpu.dma_semaphore, #tpu.memory_space<semaphore_mem>> -> memref<1x!tpu.dma_semaphore, #tpu.memory_space<semaphore_mem>>
          %dma_start3A_181 = tpu.memref_squeeze %dma_start3A_180 : memref<1x!tpu.dma_semaphore, #tpu.memory_space<semaphore_mem>> -> memref<!tpu.dma_semaphore, #tpu.memory_space<semaphore_mem>>
          %dma_start3A_182 = arith.constant 0 : i32
          %dma_start3A_183 = arith.constant 0 : i32
          %dma_start3A_184 = tpu.memref_slice %arg9[%rem3A_125, %dma_start3A_182, %dma_start3A_183] : memref<6x64x128xf32, #tpu.memory_space<vmem>> -> memref<1x64x128xf32, #tpu.memory_space<vmem>>
          %dma_start3A_185 = tpu.memref_squeeze %dma_start3A_184 : memref<1x64x128xf32, #tpu.memory_space<vmem>> -> memref<64x128xf32, #tpu.memory_space<vmem>>
          %dma_start3A_186 = arith.constant 0 : i32
          %dma_start3A_187 = tpu.memref_slice %arg3[%dma_start3A_186, %multiple_of3A] : memref<64x1000000xf32, #tpu.memory_space<hbm>> -> memref<64x128xf32, #tpu.memory_space<hbm>>
          tpu.enqueue_dma source(%dma_start3A_187 : memref<64x128xf32, #tpu.memory_space<hbm>>) target(%dma_start3A_185 : memref<64x128xf32, #tpu.memory_space<vmem>>) target_semaphore(%dma_start3A_181 : memref<!tpu.dma_semaphore, #tpu.memory_space<semaphore_mem>>)
        } else {
        }
        %ge3A_168 = arith.constant 7812 : i32
        %ge3A_169 = arith.cmpi sge, %add3A_162, %ge3A_168 : i32
        %convert_element_type3A_170 = arith.extui %ge3A_169 : i1 to i32
        %cond3A_171 = arith.constant 0 : i32
        %cond3A_172 = arith.cmpi ne, %convert_element_type3A_170, %cond3A_171 : i32
        scf.if %cond3A_172 {
          %dma_start3A = arith.constant 0 : i32
          %dma_start3A_173 = arith.constant 0 : i32
          %dma_start3A_174 = tpu.memref_slice %arg9[%rem3A_125, %dma_start3A, %dma_start3A_173] : memref<6x64x128xf32, #tpu.memory_space<vmem>> -> memref<1x64x128xf32, #tpu.memory_space<vmem>>
          %dma_start3A_175 = tpu.memref_squeeze %dma_start3A_174 : memref<1x64x128xf32, #tpu.memory_space<vmem>> -> memref<64x128xf32, #tpu.memory_space<vmem>>
          %dma_start3A_176 = tpu.memref_slice %arg12[%rem3A_125] : memref<6x!tpu.dma_semaphore, #tpu.memory_space<semaphore_mem>> -> memref<1x!tpu.dma_semaphore, #tpu.memory_space<semaphore_mem>>
          %dma_start3A_177 = tpu.memref_squeeze %dma_start3A_176 : memref<1x!tpu.dma_semaphore, #tpu.memory_space<semaphore_mem>> -> memref<!tpu.dma_semaphore, #tpu.memory_space<semaphore_mem>>
          %dma_start3A_178 = arith.constant 0 : i32
          %dma_start3A_179 = arith.constant 0 : i32
          %dma_start3A_180 = tpu.memref_slice %arg9[%rem3A_125, %dma_start3A_178, %dma_start3A_179] : memref<6x64x128xf32, #tpu.memory_space<vmem>> -> memref<1x64x128xf32, #tpu.memory_space<vmem>>
          %dma_start3A_181 = tpu.memref_squeeze %dma_start3A_180 : memref<1x64x128xf32, #tpu.memory_space<vmem>> -> memref<64x128xf32, #tpu.memory_space<vmem>>
          tpu.enqueue_dma source(%arg4 : memref<64x128xf32, #tpu.memory_space<hbm>>) target(%dma_start3A_181 : memref<64x128xf32, #tpu.memory_space<vmem>>) target_semaphore(%dma_start3A_177 : memref<!tpu.dma_semaphore, #tpu.memory_space<semaphore_mem>>)
        } else {
        }
      } else {
      }
      scf.yield %while3A_151 : i32
    }
    %and3A = arith.constant 15 : i32
    %and3A_104 = arith.andi %while3A_103, %and3A : i32
    %shift_right_arithmetic3A_105 = arith.constant 4 : i32
    %shift_right_arithmetic3A_106 = arith.shrsi %while3A_103, %shift_right_arithmetic3A_105 : i32
    %gt3A = arith.constant 0 : i32
    %gt3A_107 = arith.cmpi sgt, %and3A_104, %gt3A : i32
    %convert_element_type3A_108 = arith.extui %gt3A_107 : i1 to i32
    %cond3A_109 = arith.constant 0 : i32
    %cond3A_110 = arith.cmpi ne, %convert_element_type3A_108, %cond3A_109 : i32
    scf.if %cond3A_110 {
      %and3A_123 = arith.constant 7 : i32
      %and3A_124 = arith.andi %shift_right_arithmetic3A_106, %and3A_123 : i32
      %broadcast_in_dim3A_125 = vector.broadcast %and3A_124 : i32 to vector<16xi32>
      %broadcast_in_dim3A_126 = arith.constant 16384 : i32
      %broadcast_in_dim3A_127 = vector.broadcast %broadcast_in_dim3A_126 : i32 to vector<16xi32>
      %add3A_128 = arith.addi %broadcast_in_dim3A_127, %iota3A : vector<16xi32>
      %ge3A_129 = vector.broadcast %and3A_104 : i32 to vector<16xi32>
      %ge3A_130 = arith.cmpi sge, %iota3A, %ge3A_129 : vector<16xi32>
      tpu.vector_store_idx %arg11[%broadcast_in_dim3A_125, %iota3A], %add3A_128 masked %ge3A_130 : memref<8x16xi32, #tpu.memory_space<vmem>>[vector<16xi32>, vector<16xi32>], vector<16xi32>, vector<16xi1>
      %dma_start3A = arith.constant 0 : i32
      %dma_start3A_131 = arith.constant 0 : i32
      %dma_start3A_132 = tpu.memref_slice %arg10[%and3A_124, %dma_start3A, %dma_start3A_131] : memref<8x16x128xf32, #tpu.memory_space<vmem>> -> memref<1x16x128xf32, #tpu.memory_space<vmem>>
      %dma_start3A_133 = tpu.memref_squeeze %dma_start3A_132 : memref<1x16x128xf32, #tpu.memory_space<vmem>> -> memref<16x128xf32, #tpu.memory_space<vmem>>
      %dma_start3A_134 = arith.constant 0 : i32
      %dma_start3A_135 = tpu.memref_slice %arg11[%and3A_124, %dma_start3A_134] : memref<8x16xi32, #tpu.memory_space<vmem>> -> memref<1x16xi32, #tpu.memory_space<vmem>>
      %dma_start3A_136 = tpu.memref_squeeze %dma_start3A_135 : memref<1x16xi32, #tpu.memory_space<vmem>> -> memref<16xi32, #tpu.memory_space<vmem>>
      %dma_start3A_137 = arith.constant 0 : i32
      %dma_start3A_138 = arith.constant 0 : i32
      %dma_start3A_139 = tpu.memref_slice %arg5[%dma_start3A_137, %dma_start3A_138] : memref<16400x128xf32, #tpu.memory_space<hbm>> -> memref<16400x128xf32, #tpu.memory_space<hbm>>
      %dma_start3A_140 = tpu.memref_slice %arg13[%and3A_124] : memref<8x!tpu.dma_semaphore, #tpu.memory_space<semaphore_mem>> -> memref<1x!tpu.dma_semaphore, #tpu.memory_space<semaphore_mem>>
      %dma_start3A_141 = tpu.memref_squeeze %dma_start3A_140 : memref<1x!tpu.dma_semaphore, #tpu.memory_space<semaphore_mem>> -> memref<!tpu.dma_semaphore, #tpu.memory_space<semaphore_mem>>
      tpu.enqueue_indirect_dma source(%dma_start3A_133 : memref<16x128xf32, #tpu.memory_space<vmem>>) target(%dma_start3A_139 : memref<16400x128xf32, #tpu.memory_space<hbm>>) offsets(%dma_start3A_136 : memref<16xi32, #tpu.memory_space<vmem>>) semaphore(%dma_start3A_141 : memref<!tpu.dma_semaphore, #tpu.memory_space<semaphore_mem>>)
    } else {
    }
    %gt3A_111 = arith.constant 0 : i32
    %gt3A_112 = arith.cmpi sgt, %and3A_104, %gt3A_111 : i32
    %jit3A_113 = arith.constant 1 : i32
    %jit3A_114 = arith.constant 0 : i32
    %select_n3A_115 = arith.select %gt3A_112, %jit3A_113, %jit3A_114 : i32
    %add3A_116 = arith.addi %shift_right_arithmetic3A_106, %select_n3A_115 : i32
    %scan3A_117 = arith.constant 0 : i32
    %scan3A_118 = arith.constant 0 : i32
    %scan3A_119 = arith.constant 8 : i32
    %scan3A_120 = arith.addi %scan3A_118, %scan3A_119 : i32
    %scan3A_121 = arith.constant 1 : i32
    scf.for %scan3A_123 = %scan3A_118 to %scan3A_120 step %scan3A_121  : i32 {
      %min3A_124 = arith.constant 8 : i32
      %min3A_125 = arith.minsi %add3A_116, %min3A_124 : i32
      %lt3A_126 = arith.cmpi slt, %scan3A_123, %min3A_125 : i32
      %convert_element_type3A_127 = arith.extui %lt3A_126 : i1 to i32
      %cond3A_128 = arith.constant 0 : i32
      %cond3A_129 = arith.cmpi ne, %convert_element_type3A_127, %cond3A_128 : i32
      scf.if %cond3A_129 {
        %dma_wait3A = arith.constant 0 : i32
        %dma_wait3A_130 = arith.constant 0 : i32
        %dma_wait3A_131 = arith.constant 0 : i32
        %dma_wait3A_132 = tpu.memref_slice %arg10[%dma_wait3A, %dma_wait3A_130, %dma_wait3A_131] : memref<8x16x128xf32, #tpu.memory_space<vmem>> -> memref<1x16x128xf32, #tpu.memory_space<vmem>>
        %dma_wait3A_133 = tpu.memref_squeeze %dma_wait3A_132 : memref<1x16x128xf32, #tpu.memory_space<vmem>> -> memref<16x128xf32, #tpu.memory_space<vmem>>
        %dma_wait3A_134 = arith.constant 0 : i32
        %dma_wait3A_135 = arith.constant 0 : i32
        %dma_wait3A_136 = tpu.memref_slice %arg5[%dma_wait3A_134, %dma_wait3A_135] : memref<16400x128xf32, #tpu.memory_space<hbm>> -> memref<16x128xf32, #tpu.memory_space<hbm>>
        %dma_wait3A_137 = tpu.memref_slice %arg13[%scan3A_123] : memref<8x!tpu.dma_semaphore, #tpu.memory_space<semaphore_mem>> -> memref<1x!tpu.dma_semaphore, #tpu.memory_space<semaphore_mem>>
        %dma_wait3A_138 = tpu.memref_squeeze %dma_wait3A_137 : memref<1x!tpu.dma_semaphore, #tpu.memory_space<semaphore_mem>> -> memref<!tpu.dma_semaphore, #tpu.memory_space<semaphore_mem>>
        %dma_wait3A_139 = arith.constant 0 : i32
        %dma_wait3A_140 = arith.constant 0 : i32
        %dma_wait3A_141 = tpu.memref_slice %arg5[%dma_wait3A_139, %dma_wait3A_140] : memref<16400x128xf32, #tpu.memory_space<hbm>> -> memref<16x128xf32, #tpu.memory_space<hbm>>
        %dma_wait3A_142 = arith.constant 0 : i32
        %dma_wait3A_143 = arith.constant 0 : i32
        %dma_wait3A_144 = tpu.memref_slice %arg10[%dma_wait3A, %dma_wait3A_142, %dma_wait3A_143] : memref<8x16x128xf32, #tpu.memory_space<vmem>> -> memref<1x16x128xf32, #tpu.memory_space<vmem>>
        %dma_wait3A_145 = tpu.memref_squeeze %dma_wait3A_144 : memref<1x16x128xf32, #tpu.memory_space<vmem>> -> memref<16x128xf32, #tpu.memory_space<vmem>>
        tpu.wait_dma2 semaphore(%dma_wait3A_138 : memref<!tpu.dma_semaphore, #tpu.memory_space<semaphore_mem>>) src(%dma_wait3A_145 : memref<16x128xf32, #tpu.memory_space<vmem>>) dst(%dma_wait3A_141 : memref<16x128xf32, #tpu.memory_space<hbm>>)
      } else {
      }
    }
    %scan3A_122 = arith.constant 8 : i32
    return
  }
}

#map = affine_map<(d0, d1) -> (0, 0)>
#map1 = affine_map<(d0, d1) -> (0)>
module attributes {stable_mosaic.version = 14 : i64} {
  func.func @_tr_body(%arg0: i32, %arg1: i32, %arg2: memref<16400x128xf32, #tpu.memory_space<hbm>>, %arg3: memref<1048576xf32, #tpu.memory_space<hbm>>, %arg4: memref<512x128xf32, #tpu.memory_space<vmem>>, %arg5: memref<32768xf32, #tpu.memory_space<vmem>>, %arg6: memref<!tpu.dma_semaphore, #tpu.memory_space<semaphore_mem>>) attributes {dimension_semantics = [#tpu.dimension_semantics<core_parallel>, #tpu.dimension_semantics<subcore_parallel>], iteration_bounds = array<i64: 2, 16>, scalar_prefetch = 0 : i64, scratch_operands = 3 : i64, tpu.core_type = #tpu.core_type<sc_vector_subcore>, window_params = [{transform_indices = #map}, {transform_indices = #map1}]} {
    %mul3A = arith.constant 2 : i32
    %mul3A_0 = arith.muli %arg1, %mul3A : i32
    %add3A = arith.addi %mul3A_0, %arg0 : i32
    %mul3A_1 = arith.constant 512 : i32
    %mul3A_2 = arith.muli %add3A, %mul3A_1 : i32
    %multiple_of3A = tpu.assume_multiple %mul3A_2, 512 : i32
    "tpu.region"() ({
      %run_scoped3A = tpu.sem_alloc : memref<!tpu.dma_semaphore, #tpu.memory_space<semaphore_mem>>
      %dma_start3A = arith.constant 0 : i32
      %dma_start3A_17 = tpu.memref_slice %arg2[%multiple_of3A, %dma_start3A] : memref<16400x128xf32, #tpu.memory_space<hbm>> -> memref<512x128xf32, #tpu.memory_space<hbm>>
      %dma_start3A_18 = arith.constant 0 : i32
      %dma_start3A_19 = tpu.memref_slice %arg2[%multiple_of3A, %dma_start3A_18] : memref<16400x128xf32, #tpu.memory_space<hbm>> -> memref<512x128xf32, #tpu.memory_space<hbm>>
      tpu.enqueue_dma source(%dma_start3A_19 : memref<512x128xf32, #tpu.memory_space<hbm>>) target(%arg4 : memref<512x128xf32, #tpu.memory_space<vmem>>) target_semaphore(%run_scoped3A : memref<!tpu.dma_semaphore, #tpu.memory_space<semaphore_mem>>)
      %dma_wait3A_20 = arith.constant 0 : i32
      %dma_wait3A_21 = tpu.memref_slice %arg2[%multiple_of3A, %dma_wait3A_20] : memref<16400x128xf32, #tpu.memory_space<hbm>> -> memref<512x128xf32, #tpu.memory_space<hbm>>
      %dma_wait3A_22 = arith.constant 0 : i32
      %dma_wait3A_23 = tpu.memref_slice %arg2[%multiple_of3A, %dma_wait3A_22] : memref<16400x128xf32, #tpu.memory_space<hbm>> -> memref<512x128xf32, #tpu.memory_space<hbm>>
      tpu.wait_dma2 semaphore(%run_scoped3A : memref<!tpu.dma_semaphore, #tpu.memory_space<semaphore_mem>>) src(%dma_wait3A_23 : memref<512x128xf32, #tpu.memory_space<hbm>>) dst(%arg4 : memref<512x128xf32, #tpu.memory_space<vmem>>)
      tpu.yield
    }) : () -> ()
    %iota3A = tpu.iota {dimensions = array<i32: 0>} : vector<16xi32>
    %scan3A = arith.constant 0 : i32
    %scan3A_3 = arith.constant 0 : i32
    %scan3A_4 = arith.constant 2048 : i32
    %scan3A_5 = arith.addi %scan3A_3, %scan3A_4 : i32
    %scan3A_6 = arith.constant 1 : i32
    scf.for %scan3A_17 = %scan3A_3 to %scan3A_5 step %scan3A_6  : i32 {
      %shift_right_arithmetic3A = arith.constant 5 : i32
      %shift_right_arithmetic3A_18 = arith.shrsi %scan3A_17, %shift_right_arithmetic3A : i32
      %and3A = arith.constant 31 : i32
      %and3A_19 = arith.andi %scan3A_17, %and3A : i32
      %mul3A_20 = arith.constant 16 : i32
      %mul3A_21 = arith.muli %and3A_19, %mul3A_20 : i32
      %add3A_22 = vector.broadcast %mul3A_21 : i32 to vector<16xi32>
      %add3A_23 = arith.addi %iota3A, %add3A_22 : vector<16xi32>
      %broadcast_in_dim3A = vector.broadcast %shift_right_arithmetic3A_18 : i32 to vector<16xi32>
      %gather3A = tpu.vector_load_idx %arg4[%add3A_23, %broadcast_in_dim3A] : memref<512x128xf32, #tpu.memory_space<vmem>>[vector<16xi32>, vector<16xi32>], vector<16xf32>,
      %mul3A_24 = arith.constant 512 : i32
      %mul3A_25 = arith.muli %shift_right_arithmetic3A_18, %mul3A_24 : i32
      %mul3A_26 = arith.constant 16 : i32
      %mul3A_27 = arith.muli %and3A_19, %mul3A_26 : i32
      %add3A_28 = arith.addi %mul3A_25, %mul3A_27 : i32
      %swap3A = arith.index_cast %add3A_28 : i32 to index
      %swap3A_29 = tpu.vector_load %arg5[%swap3A] {strides = array<i32>} : memref<32768xf32, #tpu.memory_space<vmem>>, vector<16xf32>,
      tpu.vector_store %arg5[%swap3A], %gather3A {strides = array<i32>} : memref<32768xf32, #tpu.memory_space<vmem>>, vector<16xf32>,
    }
    %scan3A_7 = arith.constant 2048 : i32
    %scan3A_8 = arith.constant 0 : i32
    %scan3A_9 = arith.constant 0 : i32
    %scan3A_10 = arith.constant 64 : i32
    %scan3A_11 = arith.addi %scan3A_9, %scan3A_10 : i32
    %scan3A_12 = arith.constant 1 : i32
    scf.for %scan3A_17 = %scan3A_9 to %scan3A_11 step %scan3A_12  : i32 {
      %mul3A_18 = arith.constant 16384 : i32
      %mul3A_19 = arith.muli %scan3A_17, %mul3A_18 : i32
      %add3A_20 = arith.addi %mul3A_19, %multiple_of3A : i32
      %multiple_of3A_21 = tpu.assume_multiple %add3A_20, 512 : i32
      %mul3A_22 = arith.constant 512 : i32
      %mul3A_23 = arith.muli %scan3A_17, %mul3A_22 : i32
      %dma_start3A = tpu.memref_slice %arg5[%mul3A_23] : memref<32768xf32, #tpu.memory_space<vmem>> -> memref<512xf32, #tpu.memory_space<vmem>>
      %dma_start3A_24 = tpu.memref_slice %arg3[%multiple_of3A_21] : memref<1048576xf32, #tpu.memory_space<hbm>> -> memref<512xf32, #tpu.memory_space<hbm>>
      %dma_start3A_25 = tpu.memref_slice %arg3[%multiple_of3A_21] : memref<1048576xf32, #tpu.memory_space<hbm>> -> memref<512xf32, #tpu.memory_space<hbm>>
      %dma_start3A_26 = tpu.memref_slice %arg5[%mul3A_23] : memref<32768xf32, #tpu.memory_space<vmem>> -> memref<512xf32, #tpu.memory_space<vmem>>
      tpu.enqueue_dma source(%dma_start3A_26 : memref<512xf32, #tpu.memory_space<vmem>>) target(%dma_start3A_25 : memref<512xf32, #tpu.memory_space<hbm>>) target_semaphore(%arg6 : memref<!tpu.dma_semaphore, #tpu.memory_space<semaphore_mem>>)
    }
    %scan3A_13 = arith.constant 64 : i32
    %dma_wait3A = arith.constant 0 : i32
    %dma_wait3A_14 = tpu.memref_slice %arg3[%dma_wait3A] : memref<1048576xf32, #tpu.memory_space<hbm>> -> memref<32768xf32, #tpu.memory_space<hbm>>
    %dma_wait3A_15 = arith.constant 0 : i32
    %dma_wait3A_16 = tpu.memref_slice %arg3[%dma_wait3A_15] : memref<1048576xf32, #tpu.memory_space<hbm>> -> memref<32768xf32, #tpu.memory_space<hbm>>
    tpu.wait_dma2 semaphore(%arg6 : memref<!tpu.dma_semaphore, #tpu.memory_space<semaphore_mem>>) src(%arg5 : memref<32768xf32, #tpu.memory_space<vmem>>) dst(%dma_wait3A_16 : memref<32768xf32, #tpu.memory_space<hbm>>)
    return
  }
}

</mosaic_0001>

<sc_bundles>
// kernel: kernel.4.cloned.1.call-start
scs
__scs_entry_jumppad:
0x0: {  	(pc) =	sbr.rel $0x88, $3  }
0x1: {  	(tag) =	ssettag $0x0;
	lr =	simm.s32 $0x1  }
0x2: {  	[smem:$0x3F9F] =	sst lr;
	_ =	strace $0xD0000000  }
0x3: {  	_ = 	snop  }
0x4: {  	_ = 	snop  }
0x5: {  	_ = 	snop  }
0x6: {  	_ = 	snop  }
0x7: {  	_ = 	snop  }
__scs_overlays_trampoline_lowered:
0x8: {  	[smem:$0x3FAE] =	sst s0  }
0x9: {  	[smem:$0x3FAF] =	sst s1  }
0xa: {  	[smem:$0x3FB0] =	sst s2  }
0xb: {  	[smem:$0x3FB1] =	sst s3  }
0xc: {  	[smem:$0x3FB2] =	sst s4  }
0xd: {  	[smem:$0x3FB3] =	sst s5  }
0xe: {  	[smem:$0x3FB4] =	sst s6  }
0xf: {  	[smem:$0x3FB5] =	sst s7  }
0x10: {  	[smem:$0x3FB6] =	sst s8  }
0x11: {  	[smem:$0x3FB7] =	sst s9;
	s0 =	simm.s32 @!p0 $0x0  }
0x12: {  	s1 =	sld [smem:$0x3F9D];
	s0 =	simm.s32 @p0 $0x1  }
0x13: {  	[smem:$0x3FB8] =	sst s0;
	s0 =	simm.s32 @!p1 $0x0  }
0x14: {  	s2 =	sld [smem:$0x3F9C];
	s0 =	simm.s32 @p1 $0x1  }
0x15: {  	[smem:$0x3FB9] =	sst s0;
	s0 =	simm.s32 @!p2 $0x0  }
0x16: {  	s3 =	sld [smem:$0x3FDB];
	s0 =	simm.s32 @p2 $0x1  }
0x17: {  	s4 =	simm.s32 $0x1BF5;
	[smem:$0x3FBB] =	sst s0  }
0x18: {  	s0 =	sld [smem:$0x3F9E];
	_ =	swait.ge [sflag:s4], $0x0  }
0x19: {  	s7 =	sld [smem:$0x3F9F]  }
0x1a: {  	s8 =	sadd.s32 $0xFFFFE003, lr  }
0x1b: {  	s9 =	sadd.s32 $0xFFFFFEF7, lr;
	s5 =	simm.s32 $0xFFFFFFFF;
	p2 =	slt.u32 s8, $0xFFFFF086  }
0x1c: {  	p1 =	slt.u32 s9, $0xF7A;
	s5 =	simm.s32 @!p2 $0x0  }
0x1d: {  	s5 =	simm.s32 @p1 $0x1;
	p0 =	seq.s32 s7, s2  }
0x1e: {  	s7 =	smul.u32 @!p0 $0xF7A, s2;
	p2 =	seq.s32 @!p0 s5, $0x0  }
0x1f: {  	s9 =	smul.u32 $0xF7A, s1;
	s8 =	simm.s32 @!p0 $0x1BF5;
	p2 =	por !p2, p0  }
0x20: {  	[sflag:s8] =	ssyncset.s32 @!p0 $0xFFFFF086;
	s6 =	sadd.s32 @!p0 s3, s7;
	s7 =	simm.s32 @!p0 $0x108  }
0x21: {  	s3 =	sadd.s32 s3, s9;
	s6 =	sadd.s32 @!p0 $0x88, s6;
	s7 =	simm.s32 @p2 $0x1082  }
0x22: {  	[simem:s7], [sflag:s8] =	dma.local @!p0 [hbm:s6], $0xF7A  }
0x23: {  	s9 =	sor.u32 $0xD0000000, s2;
	s6 =	simm.s32 $0x108;
	_ =	swait.ge @!p0 [sflag:s8], $0x0  }
0x24: {  	s3 =	sadd.s32 $0x88, s3;
	s6 =	simm.s32 @!p1 $0x1082;
	[sflag:s4] =	ssyncset.s32 $0xFFFFF086  }
0x25: {  	[simem:s6], [sflag:s4] =	dma.local [hbm:s3], $0xF7A  }
0x26: {  	[smem:$0x3F9F] =	sst s1;
	(tag) =	ssettag s2;
	_ =	strace s9  }
0x27: {  	s1 =	sld [smem:$0x3FAF]  }
0x28: {  	s2 =	sld [smem:$0x3FB0]  }
0x29: {  	s4 =	sld [smem:$0x3FB2]  }
0x2a: {  	p0 =	seq.s32 s5, $0x0;
	s5 =	sld [smem:$0x3FB3]  }
0x2b: {  	s6 =	sld [smem:$0x3FB4]  }
0x2c: {  	s7 =	sld [smem:$0x3FB5]  }
0x2d: {  	s3 =	simm.s32 $0x108;
	s8 =	sld [smem:$0x3FB6]  }
0x2e: {  	s3 =	simm.s32 @!p0 $0x1082;
	s9 =	sld [smem:$0x3FB7]  }
0x2f: {  	lr =	sadd.s32 s0, s3;
	s0 =	sld [smem:$0x3FAE]  }
0x30: {  	s3 =	sld [smem:$0x3FB1]  }
0x31: {  	[smem:$0x3FBA] =	sst s10  }
0x32: {  	s10 =	sld [smem:$0x3FB8];
	_ =	sdelay $0x3  }
0x33: {  	p0 =	seq.s32 s10, $0x1;
	s10 =	sld [smem:$0x3FBA];
	_ =	sdelay $0x3  }
0x34: {  	[smem:$0x3FBA] =	sst s10  }
0x35: {  	s10 =	sld [smem:$0x3FB9];
	_ =	sdelay $0x3  }
0x36: {  	p1 =	seq.s32 s10, $0x1;
	s10 =	sld [smem:$0x3FBA];
	_ =	sdelay $0x3  }
0x37: {  	[smem:$0x3FBA] =	sst s10  }
0x38: {  	s10 =	sld [smem:$0x3FBB]  }
0x39: {  	_ = 	snop;
	(pc) =	sbr.ind lr, $3  }
0x3a: {  	_ = 	snop  }
0x3b: {  	_ = 	snop  }
0x3c: {  	p2 =	seq.s32 s10, $0x1;
	s10 =	sld [smem:$0x3FBA]  }
0x3d: {  	_ =	shalt  }
0x3e: {  	_ =	shalt  }
0x3f: {  	_ =	shalt  }
0x40: {  	_ =	shalt  }
0x41: {  	_ =	shalt  }
0x42: {  	_ =	shalt  }
0x43: {  	_ =	shalt  }
0x44: {  	_ =	shalt  }
0x45: {  	_ =	shalt  }
0x46: {  	_ =	shalt  }
0x47: {  	_ =	shalt  }
0x48: {  	_ =	shalt  }
0x49: {  	_ =	shalt  }
0x4a: {  	_ =	shalt  }
0x4b: {  	_ =	shalt  }
0x4c: {  	_ =	shalt  }
0x4d: {  	_ =	shalt  }
0x4e: {  	_ =	shalt  }
0x4f: {  	_ =	shalt  }
0x50: {  	_ =	shalt  }
0x51: {  	_ =	shalt  }
0x52: {  	_ =	shalt  }
0x53: {  	_ =	shalt  }
0x54: {  	_ =	shalt  }
0x55: {  	_ =	shalt  }
0x56: {  	_ =	shalt  }
0x57: {  	_ =	shalt  }
0x58: {  	_ =	shalt  }
0x59: {  	_ =	shalt  }
0x5a: {  	_ =	shalt  }
0x5b: {  	_ =	shalt  }
0x5c: {  	_ =	shalt  }
0x5d: {  	_ =	shalt  }
0x5e: {  	_ =	shalt  }
0x5f: {  	_ =	shalt  }
0x60: {  	_ =	shalt  }
0x61: {  	_ =	shalt  }
0x62: {  	_ =	shalt  }
0x63: {  	_ =	shalt  }
0x64: {  	_ =	shalt  }
0x65: {  	_ =	shalt  }
0x66: {  	_ =	shalt  }
0x67: {  	_ =	shalt  }
0x68: {  	_ =	shalt  }
0x69: {  	_ =	shalt  }
0x6a: {  	_ =	shalt  }
0x6b: {  	_ =	shalt  }
0x6c: {  	_ =	shalt  }
0x6d: {  	_ =	shalt  }
0x6e: {  	_ =	shalt  }
0x6f: {  	_ =	shalt  }
0x70: {  	_ =	shalt  }
0x71: {  	_ =	shalt  }
0x72: {  	_ =	shalt  }
0x73: {  	_ =	shalt  }
0x74: {  	_ =	shalt  }
0x75: {  	_ =	shalt  }
0x76: {  	_ =	shalt  }
0x77: {  	_ =	shalt  }
0x78: {  	_ =	shalt  }
0x79: {  	_ =	shalt  }
0x7a: {  	_ =	shalt  }
0x7b: {  	_ =	shalt  }
0x7c: {  	_ =	shalt  }
0x7d: {  	_ =	shalt  }
0x7e: {  	_ =	shalt  }
0x7f: {  	_ =	shalt  }
0x80: {  	_ =	shalt  }
0x81: {  	_ =	shalt  }
0x82: {  	_ =	shalt  }
0x83: {  	_ =	shalt  }
0x84: {  	_ =	shalt  }
0x85: {  	_ =	shalt  }
0x86: {  	_ =	shalt  }
0x87: {  	_ =	shalt  }
.Lfunc_end0:
.L_simem_size_0:
called_computation_lowered:
.L_overlay_start_0:
0x88: {  	s2 =	sld [smem:$0x3FD9]  }
0x89: {  	s3 =	sld [smem:$0x3FFE];
	_ =	sdelay $0x1  }
0x8a: {  	s1 =	srdreg.scid  }
0x8b: {  	s0 =	sand.u32 $0x1, s1  }
0x8c: {  	s17 =	sshll.u32 s0, $0xA;
	s2 =	sadd.s32 s3, s2  }
0x8d: {  	s2 =	sadd.s32 s2, s17  }
0x8e: {  	[smem:$0x3FC6] =	sst s2  }
0x8f: {  	_ = 	snop  }
0x90: {  	s2 =	sld [smem:$0x3FC9]  }
0x91: {  	s18 =	sld [smem:$0x3FC8]  }
0x92: {  	s4 =	sld [smem:$0x3FD0];
	(tm) =	ssettm $0x1  }
0x93: {  	s5 =	sld [smem:$0x3FFB];
	_ =	sdelay $0x3  }
0x94: {  	_ =	strace s5  }
0x95: {  	s5 =	sld [smem:$0x3FFC];
	_ =	sdelay $0x3  }
0x96: {  	_ =	strace s5  }
0x97: {  	s5 =	sld [smem:$0x3FFD];
	_ =	sdelay $0x3  }
0x98: {  	_ =	strace s5  }
0x99: {  	_ =	strace $0x8FFFFFFF  }
0x9a: {  	s19 =	sld [smem:$0x3FDB];
	_ =	sdelay $0x1  }
0x9b: {  	s6 =	simm.s32 $_scs_section_size  }
0x9c: {  	s7 =	simm.s32 $_size__tile_overlayer_lowered;
	s8 =	simm.s32 $_tile_overlayer_lowered  }
0x9d: {  	s22 =	simm.s32 $0x1BFF;
	s21 =	sshll.u32 s8, $0x1;
	s5 =	sadd.s32 s6, s19  }
0x9e: {  	s9 =	simm.s32 $0x0;
	s20 =	sshll.u32 s7, $0x1;
	s7 =	sadd.s32 s21, s5  }
0x9f: {  	[timem:s9], [sflag:s22] =	dma.local [hbm:s7], s20  }
0xa0: {  	_ =	swait.ge [sflag:s22], s20  }
0xa1: {  	s6 =	ssub.s32 $0x0, s20;
	[sflag:s22] =	ssyncset.done $0x0  }
0xa2: {  	[sflag:s22] =	ssyncadd.s32 s6;
	_ =	sdelay $0x1  }
0xa3: {  	s23 =	simm.s32 $0x1B8B  }
0xa4: {  	_ =	swait.ge [sflag:s23], $0x1  }
0xa5: {  	[sflag:s23] =	ssyncset.done $0x0  }
0xa6: {  	s25 =	simm.s32 $0x1B8E;
	s24 =	sld [smem:$0x3FFE];
	[sflag:s23] =	ssyncadd.s32 $0xFFFFFFFF  }
0xa7: {  	s26 =	simm.s32 $execute0_lowered;
	[smem:$0x3FD2] =	sst s25  }
0xa8: {  	s7 =	sshll.u32 s26, $0x1;
	_ =	strace $0x80000046;
	[dreg:$0x1] =	wrdreg $0xFFFFFFFF  }
0xa9: {  	s28 =	simm.s32 $_size_execute0_lowered;
	s5 =	sadd.s32 s5, s7;
	[dreg:$0x0] =	wrdreg $0x0  }
0xaa: {  	s7 =	sshll.u32 s28, $0x1;
	[dreg:$0x2] =	wrdreg s5  }
0xab: {  	[dreg:$0x3] =	wrdreg s7  }
0xac: {  	[dreg:$0x4] =	wrdreg $0xC0  }
0xad: {  	_ =	task [dreg:s9], $0x5FFFF  }
0xae: {  	[dreg:$0x1] =	wrdreg $0xFFFFFFFF  }
0xaf: {  	[dreg:$0x0] =	wrdreg $0x60  }
0xb0: {  	[dreg:$0x2] =	wrdreg s2  }
0xb1: {  	[dreg:$0x3] =	wrdreg s18  }
0xb2: {  	[dreg:$0x4] =	wrdreg s4  }
0xb3: {  	[dreg:$0x5] =	wrdreg s24  }
0xb4: {  	[dreg:$0x6] =	wrdreg $0x9  }
0xb5: {  	_ =	task.clear_ibuf [dreg:s9], $0x7FFFF;
	_ =	strace $0x90000046  }
0xb6: {  	s29 =	simm.s32 $0x9;
	_ =	strace $0x80000048  }
0xb7: {  	_ =	swait.ge [sflag:s29], $0x1  }
0xb8: {  	[sflag:s29] =	ssyncadd.s32 $0xFFFFFFFF  }
0xb9: {  	_ =	strace $0x90000048  }
0xba: {  	_ =	sfence  }
0xbb: {  	s30 =	sld [smem:$0x0];
	_ =	sdelay $0x2  }
0xbc: {  	s31 =	sshll.u32 s1, $0xD;
	s1 =	sshrl.u32 s1, $0x2  }
0xbd: {  	s3 =	sand.u32 $0x4000, s31;
	s1 =	sadd.s32 s1, s30  }
0xbe: {  	s0 =	sor.u32 s3, s0;
	s1 =	sshll.u32 s1, $0x11  }
0xbf: {  	s0 =	sor.u32 s1, s0  }
0xc0: {  	s0 =	sadd.s32 $0x8F2B, s0  }
0xc1: {  	[sflag:s0] =	ssyncadd.remote.s32 $0x1  }
0xc2: {  	_ =	sfence.sel $0xFFFF  }
0xc3: {  	[dreg:$0x0] =	wrdreg $0xFFFFFFFF;
	(pc) =	sbr.abs _section_cstart, $3  }
0xc4: {  	[dreg:$0x1] =	wrdreg $0xFFFFFFFF  }
0xc5: {  	_ =	task.clear_ibuf [dreg:s9], $0x2FFFF;
	_ =	strace $0x9FFFFFFF  }
0xc6: {  	(tm) =	ssettm $0x7FFFFFFF  }
0xc7: {  	_ =	shalt  }
tec
execute0_lowered:
.L_overlay_start_1:
0x0: {  	(tag) =	ssettag $0x1  }
0x1: {  	s2 =	rddreg [dreg:$0x1]  }
0x2: {  	s3 =	rddreg [dreg:$0x2]  }
0x3: {  	s0 =	rddreg [dreg:$0x3]  }
0x4: {  	s1 =	srdreg.scid;
	s5 =	simm.s32 $0x0;
	s6 =	stileid.u32  }
0x5: {  	s16 =	simm.s32 $0xF;
	s18 =	simm.s32 $0x400;
	s19 =	simm.s32 $0x7A1400  }
0x6: {  	s20 =	simm.s32 $0xC000;
	s26 =	simm.s32 $0x1C000;
	s28 =	simm.s32 $0x18000  }
0x7: {  	s30 =	simm.s32 $0x0;
	s1 =	sand.u32 $0x1, s1;
	[smem:$0x7FF] =	sst s5  }
0x8: {  	s6 =	sshll.u32 s6, $0x1;
	s7 =	sadd.s32 $0x800, s0;
	s4 =	ssub.s32 $0x2, s1  }
0x9: {  	_ =	strace $0x80000047;
	s6 =	sor.u32 s1, s6;
	s8 =	sshrl.u32 s4, $0x1  }
.Ltmp0:
0xa: {  	s1 =	sshll.u32 s6, $0x7;
	p0 =	slt.u32 s6, $0x5;
	(pc) =	sbr.rel .LBB2_1-.Ltmp0, $4  }
0xb: {  	v0 =	vlaneseq.u32;
	v3 =	vimm.s32 $0xFFFFFFFF;
	s29 =	ssub.s32 s4, s8;
	s8 =	simm.s32 $0xF5;
	s9 =	sadd.s32 s2, s1  }
0xc: {  	v7 =	vimm.s32 $0x0;
	v1 =	vmul.u32 $0x80, v0;
	v8 =	vor.u32 $0x10, v0;
	s8 =	simm.s32 @!p0 $0xF4;
	s1 =	sadd.s32 $0x1000, s9;
	s31 =	sadd.s32 $0x2000, s9  }
0xd: {  	v9 =	vor.u32 $0x20, v0;
	v10 =	vor.u32 $0x30, v0;
	v2 =	vmov s6;
	s12 =	sadd.s32 $0x3000, s9;
	s13 =	sadd.s32 $0x4000, s9;
	[dreg:$0x5] =	wrdreg s1  }
0xe: {  	v4 =	vor.u32 $0x800, v1;
	v5 =	vor.u32 $0x1000, v1;
	v6 =	vor.u32 $0x1800, v1;
	s14 =	sadd.s32 $0x5000, s9;
	s15 =	smax.u32 s29, $0x1;
	[dreg:$0x6] =	wrdreg s31  }
.LBB2_16:
0xf: {  	s30 =	sadd.s32 $0x1, s30  }
0x10: {  	p0 =	sne.s32 s30, s15  }
.Ltmp1:
0x11: {  	_ = 	snop;
	(pc) =	sbr.rel @!p0 .LBB2_17-.Ltmp1, $1  }
0x12: {  	_ =	sdelay $0x3  }
.LBB2_1:
0x13: {  	s0 =	rddreg [dreg:$0x0]  }
0x14: {  	[tilespmem:s5], [sflag:$0xF] =	stream.linear.gather [hbm4b:s0+s5], $0x4000, $0x38;
	[tilespmem:$0x1C400] =	vst v63  }
0x15: {  	_ =	swait.ge [sflag:s16], $0x4000  }
0x16: {  	[sflag:s16] =	ssyncset.done $0x0  }
0x17: {  	[sflag:s16] =	ssyncadd.s32 $0xFFFFC000  }
0x18: {  	v12 =	vld [tilespmem:s5+$0x0];
	_ =	sdelay $0x4  }
0x19: {  	v11 =	vshrl.u32 v12, $0x7  }
0x1a: {  	v11 =	vand.u32 $0x1F, v11  }
0x1b: {  	vm0 =	veq.s32 v11, v2  }
0x1c: {  	v13 =	vmpcnt.ones.xlane vm0;
	_ =	sdelay $0x1  }
0x1d: {  	(v2sf) =	vpush v13, $0x0;
	_ =	sdelay $0xe  }
0x1e: {  	s1 =	spop (v2sf)  }
0x1f: {  	p1 =	slt.s32 s1, $0x1  }
0x20: {  	vm0 =	veq.s32 @!p1 v11, v2;
	v11 =	vimm.s32 @!p1 $0x0  }
0x21: {  	v11 =	vsel @!p1 vm0, $0x1, v11  }
0x22: {  	(xrf0) =	vadd.scan.msk.s32 @!p1 $0xffff, v11;
	_ =	sdelay $0x2  }
0x23: {  	v11 =	vmov @!p1 s5  }
0x24: {  	v11 =	vadd.s32 @!p1 $0xFFFFFFFF, v11  }
0x25: {  	v11 =	vbroadcast @!p1 v11, $0x0  }
0x26: {  	v13, _, _ =	vpop @!p1 (xrf0)  }
0x27: {  	v11 =	vadd.s32 @!p1 v13, v11;
	_ =	sdelay $0x1  }
0x28: {  	v13 =	vshll.u32 @!p1 v12, $0xE  }
0x29: {  	v13 =	vand.u32 @!p1 $0x1FC000, v13  }
0x2a: {  	s0 =	simm.s32 $0x10;
	v14 =	vshra.s32 @!p1 v12, $0xC;
	s4 =	simm.s32 @!p1 $0x4000;
	v12 =	vor.u32 @!p1 s5, v13;
	v13 =	vlaneseq.u32 @!p1  }
0x2b: {  	s1 =	sadd.s32 $0x0, s1;
	s10 =	simm.s32 @!p1 $0x8000;
	v12 =	vor.u32 @!p1 v13, v12;
	[tilespmem:v11+s4+$0x0] =	vst.idx.msk @!p1 vm0, v14;
	s4 =	simm.s32 $0x0  }
.LBB2_2:
0x2c: {  	[tilespmem:v11+s10+$0x0] =	vst.idx.msk @!p1 vm0, v12;
	s4 =	sadd.s32 $0x10, s4;
	s10 =	smov.u32 s0;
	s0 =	sadd.s32 $0x10, s0  }
0x2d: {  	s11 =	smov.u32 s1;
	v11 =	vld [tilespmem:s4+$0x0];
	p0 =	sne.s32 s0, $0x4000;
	_ =	sdelay $0x4  }
0x2e: {  	v12 =	vshrl.u32 v11, $0x7  }
0x2f: {  	v12 =	vand.u32 $0x1F, v12  }
0x30: {  	vm0 =	veq.s32 v12, v2  }
0x31: {  	v13 =	vmpcnt.ones.xlane vm0;
	_ =	sdelay $0x1  }
0x32: {  	(v2sf) =	vpush v13, $0x0;
	_ =	sdelay $0xe  }
0x33: {  	s17 =	spop (v2sf)  }
0x34: {  	p1 =	slt.s32 s17, $0x1;
	s1 =	sadd.s32 s1, s17  }
0x35: {  	vm0 =	veq.s32 @!p1 v12, v2;
	v12 =	vimm.s32 @!p1 $0x0;
	v13 =	vmov @!p1 s11  }
0x36: {  	v14 =	vshll.u32 @!p1 v11, $0xE;
	v12 =	vsel @!p1 vm0, $0x1, v12;
	v13 =	vadd.s32 @!p1 $0xFFFFFFFF, v13  }
0x37: {  	v15 =	vshra.s32 @!p1 v11, $0xC;
	v11 =	vand.u32 @!p1 $0x1FC000, v14;
	v13 =	vbroadcast @!p1 v13, $0x0;
	(xrf0) =	vadd.scan.msk.s32 @!p1 $0xffff, v12  }
0x38: {  	v11 =	vor.u32 @!p1 s10, v11;
	v12 =	vlaneseq.u32 @!p1  }
0x39: {  	v12 =	vor.u32 @!p1 v12, v11;
	_ =	sdelay $0x3  }
0x3a: {  	v11, _, _ =	vpop @!p1 (xrf0)  }
0x3b: {  	v11 =	vadd.s32 @!p1 v11, v13  }
.Ltmp2:
0x3c: {  	(pc) =	sbr.rel @p0 .LBB2_2-.Ltmp2, $3  }
0x3d: {  	_ =	sdelay $0x1  }
0x3e: {  	s10 =	simm.s32 @!p1 $0x4000  }
0x3f: {  	[tilespmem:v11+s10+$0x0] =	vst.idx.msk @!p1 vm0, v15;
	s10 =	simm.s32 @!p1 $0x8000  }
0x40: {  	s0 =	sadd.s32 $0xF, s1  }
0x41: {  	v13 =	vadd.s32 s1, v0;
	s11 =	sand.u32 $0xFFFFFFF0, s0  }
0x42: {  	vm1 =	vlt.s32 v13, $0x3FFF;
	vm2 =	vlt.s32 v13, s11  }
0x43: {  	v13 =	vnsel vm1, $0x3FFF, v13;
	_ =	sdelay $0x3  }
0x44: {  	[tilespmem:v11+s10+$0x0] =	vst.idx.msk @!p1 vm0, v12;
	s17 =	simm.s32 $0x4000  }
0x45: {  	[tilespmem:v13+s17+$0x0] =	vst.idx.msk vm2, v3  }
0x46: {  	[tilespmem:s20], [sflag:$0x1] =	stream.strided.gather [hbm4b:s9+s18], $0x2000, s19, s18, $0x38;
	[tilespmem:$0x1C400] =	vst v63  }
0x47: {  	s21 =	rddreg [dreg:$0x5];
	s4 =	simm.s32 $0xE000  }
0x48: {  	[tilespmem:s4], [sflag:$0x2] =	stream.strided.gather [hbm4b:s21+s18], $0x2000, s19, s18, $0x38;
	[tilespmem:$0x1C400] =	vst v63  }
0x49: {  	s22 =	rddreg [dreg:$0x6];
	s23 =	simm.s32 $0x10000  }
0x4a: {  	[tilespmem:s23], [sflag:$0x3] =	stream.strided.gather [hbm4b:s22+s18], $0x2000, s19, s18, $0x38;
	[tilespmem:$0x1C400] =	vst v63  }
0x4b: {  	s24 =	simm.s32 $0x12000  }
0x4c: {  	[tilespmem:s24], [sflag:$0x4] =	stream.strided.gather [hbm4b:s12+s18], $0x2000, s19, s18, $0x38;
	[tilespmem:$0x1C400] =	vst v63  }
.Ltmp3:
0x4d: {  	_ = 	snop;
	(pc) =	sbr.rel .LBB2_4-.Ltmp3, $4  }
0x4e: {  	s25 =	simm.s32 $0x14000;
	s29 =	simm.s32 $0x16000;
	s0 =	sshra.s32 s0, $0x4  }
0x4f: {  	[tilespmem:s25], [sflag:$0x5] =	stream.strided.gather [hbm4b:s13+s18], $0x2000, s19, s18, $0x38;
	[tilespmem:$0x1C400] =	vst v63  }
0x50: {  	s31 =	simm.s32 $0x0;
	p0 =	slt.s32 s0, $0x1;
	s4 =	simm.s32 $0x0  }
0x51: {  	[tilespmem:s29], [sflag:$0x6] =	stream.strided.gather [hbm4b:s14+s18], $0x2000, s19, s18, $0x38;
	[tilespmem:$0x1C400] =	vst v63  }
.LBB2_13:
0x52: {  	s10 =	sadd.s32 $0x6, s4  }
0x53: {  	p1 =	sge.u32 s10, s8  }
0x54: {  	s10 =	sshll.u32 @!p1 s10, $0x5  }
0x55: {  	s10 =	sor.u32 @!p1 s6, s10  }
0x56: {  	p2 =	sgt.u32 @!p1 s10, $0x1E83  }
0x57: {  	s11 =	sadd.s32 $0xC000, s17;
	p3 =	por !p2, p1;
	p1 =	por p2, p1  }
0x58: {  	s4 =	sadd.s32 $0x1, s4;
	s17 =	simm.s32 @!p3 $0x0;
	s10 =	sshll.u32 @!p1 s10, $0x7  }
0x59: {  	[tilespmem:s11], [sflag:s1] =	stream.linear.gather @!p3 [hbm4b:s3+s17], $0x2000, $0x38;
	[tilespmem:$0x1C400] =	vst v63  }
0x5a: {  	s21 =	simm.s32 @!p1 $0x7A1400;
	s10 =	sadd.s32 @!p1 s2, s10;
	s17 =	simm.s32 @!p1 $0x400  }
0x5b: {  	[tilespmem:s11], [sflag:s1] =	stream.strided.gather @!p1 [hbm4b:s10+s17], $0x2000, s21, s17, $0x38;
	[tilespmem:$0x1C400] =	vst v63  }
0x5c: {  	p1 =	sne.s32 s4, s8  }
.Ltmp4:
0x5d: {  	_ = 	snop;
	(pc) =	sbr.rel @!p1 .LBB2_14-.Ltmp4, $1  }
0x5e: {  	_ =	sdelay $0x3  }
.LBB2_4:
0x5f: {  	s1 =	smulhi.u32 $0xAAAAAAAB, s4;
	_ =	sdelay $0x1  }
0x60: {  	s1 =	sshrl.u32 s1, $0x2  }
0x61: {  	s1 =	smul.u32 $0x6, s1;
	_ =	sdelay $0x1  }
.Ltmp5:
0x62: {  	s10 =	ssub.s32 s4, s1;
	(pc) =	sbr.rel @p0 .LBB2_13-.Ltmp5, $4  }
0x63: {  	s1 =	sadd.s32 $0x1, s10  }
0x64: {  	_ =	swait.ge [sflag:s1], $0x2000  }
0x65: {  	[sflag:s1] =	ssyncset.done $0x0  }
0x66: {  	s17 =	sshll.u32 s10, $0xD;
	[sflag:s1] =	ssyncadd.s32 $0xFFFFE000  }
.Ltmp6:
0x67: {  	(pc) =	sbr.rel .LBB2_6-.Ltmp6, $3  }
0x68: {  	_ =	sdelay $0x1  }
0x69: {  	v11 =	vmov s4;
	v12 =	vor.u32 s17, v1  }
0x6a: {  	v13 =	vor.u32 s17, v4;
	v14 =	vor.u32 s17, v5;
	v15 =	vor.u32 s17, v6;
	s21 =	simm.s32 $0x0  }
.LBB2_8:
0x6b: {  	_ = 	snop  }
.LBB2_11:
0x6c: {  	_ =	sdelay $0x2  }
0x6d: {  	s10 =	sand.u32 $0x3800, s11;
	s29 =	sshll.u32 s29, $0x7  }
0x6e: {  	[tilespmem:v21+s28+$0x0] =	vst.idx.msk @p1 $0xffff, v22;
	s10 =	sor.u32 s29, s10  }
0x6f: {  	v16 =	vld.idx.msk [tilespmem:v20+s20+$0x0], $0xffff;
	v61 =	vor.u32 s10, v0;
	_ =	sdelay $0x4  }
0x70: {  	[tilespmem:v61+s28+$0x0] =	vst.idx.msk $0xffff, v16  }
0x71: {  	v62 =	vor.u32 s10, v8;
	v16 =	vld.idx.msk [tilespmem:v19+s20+$0x0], $0xffff;
	_ =	sdelay $0x4  }
0x72: {  	[tilespmem:v62+s28+$0x0] =	vst.idx.msk $0xffff, v16  }
0x73: {  	v63 =	vor.u32 s10, v9;
	v16 =	vld.idx.msk [tilespmem:v18+s20+$0x0], $0xffff;
	_ =	sdelay $0x4  }
0x74: {  	[tilespmem:v63+s28+$0x0] =	vst.idx.msk $0xffff, v16  }
0x75: {  	v16 =	vld.idx.msk [tilespmem:v17+s20+$0x0], $0xffff;
	v17 =	vor.u32 s10, v10;
	_ =	sdelay $0x1  }
0x76: {  	p1 =	slt.s32 s24, $0x10  }
0x77: {  	s10 =	sand.u32 @!p1 $0x7, s23  }
0x78: {  	s24 =	simm.s32 @!p1 $0x10;
	s11 =	sshll.u32 @!p1 s10, $0xB;
	s23 =	sshll.u32 @!p1 s10, $0x7  }
0x79: {  	s10 =	sadd.s32 @!p1 $0x7, s10;
	s11 =	sor.u32 @!p1 $0x18000, s11;
	s23 =	sor.u32 @!p1 $0x1C000, s23;
	[tilespmem:v17+s28+$0x0] =	vst.idx.msk $0xffff, v16  }
0x7a: {  	[hbm4b:s7+s24] =	stream.indirect.scatter @!p1 [tilespmem:s11], [sflag:s10], $0x80, s23, s24, $0xb8;
	[tilespmem:$0x1C400] =	vst v63  }
.LBB2_12:
0x7b: {  	s21 =	sadd.s32 $0x1, s21  }
0x7c: {  	p1 =	sne.s32 s21, s0  }
.Ltmp7:
0x7d: {  	_ = 	snop;
	(pc) =	sbr.rel @!p1 .LBB2_13-.Ltmp7, $2  }
0x7e: {  	_ =	sdelay $0x2  }
0x7f: {  	s31 =	sadd.s32 s31, s22  }
.LBB2_6:
0x80: {  	s10 =	sshll.u32 s21, $0x4  }
0x81: {  	v16 =	vld [tilespmem:s10+$0x4000];
	_ =	sdelay $0x4  }
0x82: {  	vm0 =	veq.s32 v16, v11  }
0x83: {  	v16 =	vmpcnt.ones.xlane vm0;
	_ =	sdelay $0x1  }
0x84: {  	(v2sf) =	vpush v16, $0x0;
	_ =	sdelay $0xe  }
0x85: {  	s22 =	spop (v2sf)  }
0x86: {  	p1 =	slt.s32 s22, $0x1  }
.Ltmp8:
0x87: {  	_ = 	snop;
	(pc) =	sbr.rel @p1 .LBB2_12-.Ltmp8, $1  }
0x88: {  	_ =	sdelay $0x3  }
0x89: {  	s29 =	sand.u32 $0xF, s31  }
0x8a: {  	s11 =	simm.s32 $0x1;
	p1 =	sne.s32 s29, $0x0  }
0x8b: {  	s23 =	sshra.s32 s31, $0x4;
	s24 =	sadd.s32 s29, s22;
	s11 =	simm.s32 @!p1 $0x0  }
0x8c: {  	p5 =	seq.s32 s29, $0x0;
	p2 =	sgt.s32 s24, $0x10;
	s11 =	sadd.s32 s11, s23  }
0x8d: {  	p1 =	por p5, p2;
	p6 =	slt.s32 s11, $0x8  }
0x8e: {  	p1 =	por !p1, p6  }
0x8f: {  	s11 =	sand.u32 @!p1 $0x7, s11  }
0x90: {  	s11 =	sadd.s32 @!p1 $0x7, s11  }
0x91: {  	_ =	swait.ge @!p1 [sflag:s11], $0x800  }
0x92: {  	[sflag:s11] =	ssyncset.done @!p1 $0x0  }
0x93: {  	[sflag:s11] =	ssyncadd.s32 @!p1 $0xFFFFF800  }
0x94: {  	v17 =	vld [tilespmem:s10+$0x8000];
	_ =	sdelay $0x1  }
0x95: {  	v16 =	vsel vm0, $0x1, v7  }
0x96: {  	v18 =	vmctz.xlane vm0;
	(xrf0) =	vadd.scan.msk.s32 $0xffff, v16;
	_ =	sdelay $0x1  }
0x97: {  	vm1 =	veq.s32 v18, v0;
	v16 =	vshra.s32 v17, $0xE  }
0x98: {  	v19 =	vmov s31;
	v20 =	vnsel vm1, $0x0, v16  }
0x99: {  	v19 =	vadd.s32 $0xFFFFFFFF, v19  }
0x9a: {  	v19 =	vbroadcast v19, $0x0  }
0x9b: {  	(xrf0) =	vadd.scan.msk.s32 $0xffff, v20;
	v20, _, _ =	vpop (xrf0)  }
0x9c: {  	v19 =	vadd.s32 v19, v20  }
0x9d: {  	v20 =	vshll.u32 v19, $0x3  }
0x9e: {  	v20 =	vand.u32 $0x380, v20  }
0x9f: {  	v19 =	vand.u32 $0xF, v19  }
0xa0: {  	v19 =	vor.u32 v19, v20  }
0xa1: {  	v20, _, _ =	vpop (xrf0)  }
0xa2: {  	p2 =	sne.s32 s22, $0x1;
	v20 =	vbroadcast v20, $0xF  }
.Ltmp9:
0xa3: {  	vm1 =	vne.s32 v18, v0;
	(pc) =	sbr.rel @!p2 .LBB2_8-.Ltmp9, $4  }
0xa4: {  	v17 =	vand.u32 $0x3FFF, v17;
	vm1 =	vmand vm0, vm1;
	v18 =	vand.u32 $0xFFFFFF80, v20  }
0xa5: {  	[tilespmem:v19+s26+$0x0] =	vst.idx.msk vm0, v17;
	v17 =	vand.u32 $0x7F, v20;
	v19 =	vadd.s32 v18, v12;
	v21 =	vadd.s32 v18, v13  }
0xa6: {  	v22 =	vadd.s32 v18, v14;
	v23 =	vadd.s32 v18, v15;
	v20 =	vor.u32 v17, v19  }
0xa7: {  	s11 =	sshll.u32 s31, $0x7;
	p1 =	por $0x0, $0x0;
	s10 =	sadd.s32 $0xFFFFFFFF, s22;
	v19 =	vor.u32 v17, v21;
	v18 =	vor.u32 v17, v22;
	v17 =	vor.u32 v17, v23  }
0xa8: {  	_ =	sdelay $0x1  }
0xa9: {  	s11 =	sand.u32 $0x3800, s11;
	s25 =	sshll.u32 s29, $0x7  }
0xaa: {  	s11 =	sor.u32 s25, s11  }
0xab: {  	v20 =	vld.idx.msk [tilespmem:v20+s20+$0x0], $0xffff;
	v21 =	vor.u32 s11, v0;
	_ =	sdelay $0x3  }
0xac: {  	v22 =	vmctz.xlane vm1  }
0xad: {  	[tilespmem:v21+s28+$0x0] =	vst.idx.msk $0xffff, v20  }
0xae: {  	vm0 =	veq.s32 v22, v0;
	v20 =	vor.u32 s11, v8;
	v19 =	vld.idx.msk [tilespmem:v19+s20+$0x0], $0xffff  }
0xaf: {  	v21 =	vnsel vm0, $0x0, v16  }
0xb0: {  	(xrf0) =	vadd.scan.msk.s32 $0xffff, v21;
	_ =	sdelay $0x2  }
0xb1: {  	[tilespmem:v20+s28+$0x0] =	vst.idx.msk $0xffff, v19  }
0xb2: {  	v19 =	vor.u32 s11, v9;
	v18 =	vld.idx.msk [tilespmem:v18+s20+$0x0], $0xffff;
	_ =	sdelay $0x1  }
0xb3: {  	v20, _, _ =	vpop (xrf0)  }
0xb4: {  	v20 =	vbroadcast v20, $0xF;
	_ =	sdelay $0x1  }
0xb5: {  	p2 =	sne.s32 s10, $0x1;
	vm0 =	vne.s32 v22, v0;
	v23 =	vand.u32 $0xFFFFFF80, v20;
	[tilespmem:v19+s28+$0x0] =	vst.idx.msk $0xffff, v18  }
.Ltmp10:
0xb6: {  	v21 =	vor.u32 s11, v10;
	v24 =	vand.u32 $0x7F, v20;
	v18 =	vadd.s32 v23, v12;
	v22 =	vld.idx.msk [tilespmem:v17+s20+$0x0], $0xffff;
	(pc) =	sbr.rel @!p2 .LBB2_11-.Ltmp10, $4  }
0xb7: {  	v20 =	vor.u32 v24, v18  }
0xb8: {  	vm0 =	vmand vm1, vm0  }
0xb9: {  	s25 =	sadd.s32 $0xFFFFFFFF, s10;
	s10 =	sadd.s32 $0x1, s31;
	v19 =	vadd.s32 v23, v13;
	v17 =	vadd.s32 v23, v14;
	v23 =	vadd.s32 v23, v15  }
0xba: {  	p1 =	por $0x1, $0x1;
	s29 =	sand.u32 $0xF, s10;
	s11 =	sshll.u32 s10, $0x7;
	v19 =	vor.u32 v24, v19;
	v18 =	vor.u32 v24, v17;
	v17 =	vor.u32 v24, v23  }
.LBB2_10:
0xbb: {  	p2 =	sne.s32 s25, $0x1;
	s11 =	sand.u32 $0x3800, s11;
	s29 =	sshll.u32 s29, $0x7;
	[tilespmem:v21+s28+$0x0] =	vst.idx.msk $0xffff, v22  }
0xbc: {  	s25 =	sadd.s32 $0xFFFFFFFF, s25;
	v20 =	vld.idx.msk [tilespmem:v20+s20+$0x0], $0xffff;
	s11 =	sor.u32 s29, s11  }
0xbd: {  	v21 =	vor.u32 s11, v0;
	_ =	sdelay $0x4  }
0xbe: {  	[tilespmem:v21+s28+$0x0] =	vst.idx.msk $0xffff, v20  }
0xbf: {  	v19 =	vld.idx.msk [tilespmem:v19+s20+$0x0], $0xffff  }
0xc0: {  	v20 =	vmctz.xlane vm0;
	v21 =	vor.u32 s11, v8;
	_ =	sdelay $0x1  }
0xc1: {  	vm1 =	veq.s32 v20, v0;
	vm2 =	vne.s32 v20, v0  }
0xc2: {  	v20 =	vnsel vm1, $0x0, v16;
	vm0 =	vmand vm0, vm2  }
0xc3: {  	(xrf0) =	vadd.scan.msk.s32 $0xffff, v20  }
0xc4: {  	[tilespmem:v21+s28+$0x0] =	vst.idx.msk $0xffff, v19  }
0xc5: {  	v18 =	vld.idx.msk [tilespmem:v18+s20+$0x0], $0xffff  }
0xc6: {  	v19 =	vor.u32 s11, v9;
	_ =	sdelay $0x2  }
0xc7: {  	v20, _, _ =	vpop (xrf0)  }
0xc8: {  	v20 =	vbroadcast v20, $0xF  }
0xc9: {  	[tilespmem:v19+s28+$0x0] =	vst.idx.msk $0xffff, v18  }
0xca: {  	v21 =	vor.u32 s11, v10;
	v23 =	vand.u32 $0xFFFFFF80, v20;
	v22 =	vld.idx.msk [tilespmem:v17+s20+$0x0], $0xffff  }
.Ltmp11:
0xcb: {  	v17 =	vand.u32 $0x7F, v20;
	v18 =	vadd.s32 v23, v12;
	v19 =	vadd.s32 v23, v13;
	(pc) =	sbr.rel @p2 .LBB2_10-.Ltmp11, $4  }
0xcc: {  	v20 =	vor.u32 v17, v18;
	v19 =	vor.u32 v17, v19;
	v18 =	vadd.s32 v23, v14  }
0xcd: {  	v23 =	vadd.s32 v23, v15;
	v18 =	vor.u32 v17, v18  }
0xce: {  	s10 =	sadd.s32 $0x1, s10;
	v17 =	vor.u32 v17, v23  }
0xcf: {  	s29 =	sand.u32 $0xF, s10;
	s11 =	sshll.u32 s10, $0x7  }
.Ltmp12:
0xd0: {  	_ = 	snop;
	(pc) =	sbr.rel .LBB2_11-.Ltmp12, $1  }
0xd1: {  	_ =	sdelay $0x3  }
.LBB2_14:
0xd2: {  	s0 =	sand.u32 $0xF, s31  }
0xd3: {  	p0 =	seq.s32 s0, $0x0  }
0xd4: {  	s1 =	sshra.s32 s31, $0x4;
	v11 =	vlaneseq.u32 @!p0  }
0xd5: {  	s4 =	sand.u32 @!p0 $0x7, s1;
	v12 =	vmov @!p0 s0;
	v13 =	vadd.s32 @!p0 $0x1, v11  }
0xd6: {  	s10 =	sshll.u32 @!p0 s4, $0x7;
	vm0 =	vlt.u32 @!p0 v12, v13  }
0xd7: {  	v12 =	vor.u32 @!p0 s10, v11;
	_ =	sdelay $0x3  }
0xd8: {  	s17 =	simm.s32 @!p0 $0x1C000;
	s11 =	sshll.u32 @!p0 s4, $0xB;
	s4 =	sadd.s32 @!p0 $0x7, s4;
	v11 =	vor.u32 @!p0 $0x4000, v11  }
0xd9: {  	s11 =	sor.u32 @!p0 $0x18000, s11;
	s10 =	sor.u32 @!p0 $0x1C000, s10;
	[tilespmem:v12+s17+$0x0] =	vst.idx.msk @!p0 vm0, v11;
	s17 =	simm.s32 @!p0 $0x10  }
0xda: {  	[hbm4b:s7+s17] =	stream.indirect.scatter @!p0 [tilespmem:s11], [sflag:s4], $0x80, s10, s17, $0xb8;
	[tilespmem:$0x1C400] =	vst v63  }
0xdb: {  	p0 =	sne.s32 s0, $0x0;
	s0 =	simm.s32 $0x1  }
0xdc: {  	s0 =	simm.s32 @!p0 $0x0  }
0xdd: {  	s0 =	sadd.s32 s0, s1  }
0xde: {  	p0 =	slt.s32 s0, $0x1  }
0xdf: {  	s1 =	simm.s32 @!p0 $0x7  }
0xe0: {  	p1 =	seq.s32 @!p0 s0, $0x1;
	_ =	swait.ge @!p0 [sflag:s1], $0x800  }
0xe1: {  	p1 =	por p0, p1;
	[sflag:s1] =	ssyncset.done @!p0 $0x0  }
0xe2: {  	[sflag:s1] =	ssyncadd.s32 @!p0 $0xFFFFF800;
	p0 =	slt.u32 @!p1 s0, $0x3  }
0xe3: {  	p0 =	por p1, p0  }
.Ltmp13:
0xe4: {  	_ = 	snop;
	(pc) =	sbr.rel @p0 .LBB2_16-.Ltmp13, $4  }
0xe5: {  	s1 =	simm.s32 @!p1 $0x8  }
0xe6: {  	_ =	swait.ge @!p1 [sflag:s1], $0x800  }
0xe7: {  	[sflag:s1] =	ssyncset.done @!p1 $0x0  }
0xe8: {  	[sflag:s1] =	ssyncadd.s32 @!p1 $0xFFFFF800  }
0xe9: {  	p0 =	seq.s32 s0, $0x3  }
0xea: {  	p1 =	slt.u32 @!p0 s0, $0x5  }
0xeb: {  	s1 =	simm.s32 $0x9;
	p2 =	por p1, p0  }
0xec: {  	_ =	swait.ge [sflag:s1], $0x800;
	p3 =	seq.s32 @!p2 s0, $0x5  }
0xed: {  	[sflag:s1] =	ssyncset.done $0x0;
	s4 =	simm.s32 @!p3 $0x0;
	p4 =	por @!p0 p3, p1  }
0xee: {  	[sflag:s1] =	ssyncadd.s32 $0xFFFFF800;
	s4 =	simm.s32 @p3 $0x1;
	p4 =	por p4, p0  }
0xef: {  	s1 =	simm.s32 @!p0 $0xA;
	[smem:$0x7FD] =	sst s4;
	p5 =	slt.u32 @!p4 s0, $0x7  }
0xf0: {  	_ =	swait.ge @!p0 [sflag:s1], $0x800;
	s4 =	simm.s32 @!p5 $0x0  }
0xf1: {  	[sflag:s1] =	ssyncset.done @!p0 $0x0;
	s4 =	simm.s32 @p5 $0x1  }
0xf2: {  	[sflag:s1] =	ssyncadd.s32 @!p0 $0xFFFFF800;
	s1 =	simm.s32 @!p2 $0xB;
	[smem:$0x7FC] =	sst s4  }
0xf3: {  	_ =	swait.ge @!p2 [sflag:s1], $0x800  }
0xf4: {  	[sflag:s1] =	ssyncset.done @!p2 $0x0  }
0xf5: {  	[sflag:s1] =	ssyncadd.s32 @!p2 $0xFFFFF800;
	s1 =	simm.s32 @!p4 $0xC  }
0xf6: {  	_ =	swait.ge @!p4 [sflag:s1], $0x800  }
0xf7: {  	p6 =	por @!p2 p5, p3;
	s29 =	sld [smem:$0x7FC]  }
0xf8: {  	p6 =	por @!p0 p6, p1;
	s31 =	sld [smem:$0x7FD]  }
0xf9: {  	p6 =	por p6, p0  }
0xfa: {  	p5 =	seq.s32 @!p6 s0, $0x7;
	p3 =	seq.s32 s29, $0x1  }
0xfb: {  	[sflag:s1] =	ssyncset.done @!p4 $0x0;
	p5 =	por @!p4 p5, p3;
	p3 =	seq.s32 s31, $0x1  }
0xfc: {  	s0 =	simm.s32 @!p6 $0xD;
	[sflag:s1] =	ssyncadd.s32 @!p4 $0xFFFFF800;
	p2 =	por @!p2 p5, p3  }
0xfd: {  	_ =	swait.ge @!p6 [sflag:s0], $0x800;
	p1 =	por @!p0 p2, p1  }
.Ltmp14:
0xfe: {  	[sflag:s0] =	ssyncset.done @!p6 $0x0;
	p0 =	por p1, p0;
	(pc) =	sbr.rel .LBB2_16-.Ltmp14, $4  }
0xff: {  	[sflag:s0] =	ssyncadd.s32 @!p6 $0xFFFFF800;
	s0 =	simm.s32 @!p0 $0xE  }
0x100: {  	_ =	swait.ge @!p0 [sflag:s0], $0x800  }
0x101: {  	[sflag:s0] =	ssyncset.done @!p0 $0x0  }
0x102: {  	[sflag:s0] =	ssyncadd.s32 @!p0 $0xFFFFF800  }
.LBB2_17:
0x103: {  	_ =	sfence.sel $0x180000  }
0x104: {  	[bflag:$0x0] =	sbarrier.arrive $0xFFFF  }
0x105: {  	_ =	strace $0x90000047  }
0x106: {  	s0 =	stileid.u32;
	[bflag:$0x2] =	sbarrier.arrive $0xFFFF  }
0x107: {  	p0 =	sne.s32 s0, $0x0;
	s0 =	rddreg [dreg:$0x4]  }
0x108: {  	s0 =	sadd.s32 @!p0 $0x100000, s0  }
0x109: {  	[sflag:s0] =	ssyncadd.tile.s32 @!p0 $0x1;
	_ =	shalt  }
.Lfunc_end2:
_tile_overlayer_lowered:
.L_overlay_start_2:
0x10a: {  	(tag) =	ssettag $0x2  }
0x10b: {  	s0 =	rddreg [dreg:$0x0];
	s2 =	stileid.u32  }
0x10c: {  	s1 =	rddreg [dreg:$0x1];
	p0 =	sne.s32 s2, $0x0  }
0x10d: {  	s3 =	rddreg [dreg:$0x2];
	[bflag:$0x3] =	sbarrier.arrive $0xFFFF;
	s2 =	simm.s32 @!p0 $0x1C0F  }
0x10e: {  	[timem:s3], [sflag:s2] =	dma.local @!p0 [hbm:s0], s1  }
0x10f: {  	s0 =	simm.s32 @!p0 $0xF  }
0x110: {  	_ =	swait.ge @!p0 [sflag:s0], s1  }
0x111: {  	s1 =	ssub.s32 @!p0 $0x0, s1;
	[sflag:s0] =	ssyncset.done @!p0 $0x0  }
0x112: {  	[sflag:s0] =	ssyncadd.s32 @!p0 s1  }
0x113: {  	[bflag:$0x3] =	sbarrier.arrive $0xFFFF  }
0x114: {  	_ =	shalt  }

// kernel: kernel.7.cloned.1.call-start
scs
__scs_entry_jumppad:
0x0: {  	(pc) =	sbr.rel $0x88, $3  }
0x1: {  	(tag) =	ssettag $0x0;
	lr =	simm.s32 $0x1  }
0x2: {  	[smem:$0x3F9F] =	sst lr;
	_ =	strace $0xD0000000  }
0x3: {  	_ = 	snop  }
0x4: {  	_ = 	snop  }
0x5: {  	_ = 	snop  }
0x6: {  	_ = 	snop  }
0x7: {  	_ = 	snop  }
__scs_overlays_trampoline_lowered:
0x8: {  	[smem:$0x3FAE] =	sst s0  }
0x9: {  	[smem:$0x3FAF] =	sst s1  }
0xa: {  	[smem:$0x3FB0] =	sst s2  }
0xb: {  	[smem:$0x3FB1] =	sst s3  }
0xc: {  	[smem:$0x3FB2] =	sst s4  }
0xd: {  	[smem:$0x3FB3] =	sst s5  }
0xe: {  	[smem:$0x3FB4] =	sst s6  }
0xf: {  	[smem:$0x3FB5] =	sst s7  }
0x10: {  	[smem:$0x3FB6] =	sst s8  }
0x11: {  	[smem:$0x3FB7] =	sst s9;
	s0 =	simm.s32 @!p0 $0x0  }
0x12: {  	s1 =	sld [smem:$0x3F9D];
	s0 =	simm.s32 @p0 $0x1  }
0x13: {  	[smem:$0x3FB8] =	sst s0;
	s0 =	simm.s32 @!p1 $0x0  }
0x14: {  	s2 =	sld [smem:$0x3F9C];
	s0 =	simm.s32 @p1 $0x1  }
0x15: {  	[smem:$0x3FB9] =	sst s0;
	s0 =	simm.s32 @!p2 $0x0  }
0x16: {  	s3 =	sld [smem:$0x3FDB];
	s0 =	simm.s32 @p2 $0x1  }
0x17: {  	s4 =	simm.s32 $0x1BF5;
	[smem:$0x3FBB] =	sst s0  }
0x18: {  	s0 =	sld [smem:$0x3F9E];
	_ =	swait.ge [sflag:s4], $0x0  }
0x19: {  	s7 =	sld [smem:$0x3F9F]  }
0x1a: {  	s8 =	sadd.s32 $0xFFFFE003, lr  }
0x1b: {  	s9 =	sadd.s32 $0xFFFFFEF7, lr;
	s5 =	simm.s32 $0xFFFFFFFF;
	p2 =	slt.u32 s8, $0xFFFFF086  }
0x1c: {  	p1 =	slt.u32 s9, $0xF7A;
	s5 =	simm.s32 @!p2 $0x0  }
0x1d: {  	s5 =	simm.s32 @p1 $0x1;
	p0 =	seq.s32 s7, s2  }
0x1e: {  	s7 =	smul.u32 @!p0 $0xF7A, s2;
	p2 =	seq.s32 @!p0 s5, $0x0  }
0x1f: {  	s9 =	smul.u32 $0xF7A, s1;
	s8 =	simm.s32 @!p0 $0x1BF5;
	p2 =	por !p2, p0  }
0x20: {  	[sflag:s8] =	ssyncset.s32 @!p0 $0xFFFFF086;
	s6 =	sadd.s32 @!p0 s3, s7;
	s7 =	simm.s32 @!p0 $0x108  }
0x21: {  	s3 =	sadd.s32 s3, s9;
	s6 =	sadd.s32 @!p0 $0x88, s6;
	s7 =	simm.s32 @p2 $0x1082  }
0x22: {  	[simem:s7], [sflag:s8] =	dma.local @!p0 [hbm:s6], $0xF7A  }
0x23: {  	s9 =	sor.u32 $0xD0000000, s2;
	s6 =	simm.s32 $0x108;
	_ =	swait.ge @!p0 [sflag:s8], $0x0  }
0x24: {  	s3 =	sadd.s32 $0x88, s3;
	s6 =	simm.s32 @!p1 $0x1082;
	[sflag:s4] =	ssyncset.s32 $0xFFFFF086  }
0x25: {  	[simem:s6], [sflag:s4] =	dma.local [hbm:s3], $0xF7A  }
0x26: {  	[smem:$0x3F9F] =	sst s1;
	(tag) =	ssettag s2;
	_ =	strace s9  }
0x27: {  	s1 =	sld [smem:$0x3FAF]  }
0x28: {  	s2 =	sld [smem:$0x3FB0]  }
0x29: {  	s4 =	sld [smem:$0x3FB2]  }
0x2a: {  	p0 =	seq.s32 s5, $0x0;
	s5 =	sld [smem:$0x3FB3]  }
0x2b: {  	s6 =	sld [smem:$0x3FB4]  }
0x2c: {  	s7 =	sld [smem:$0x3FB5]  }
0x2d: {  	s3 =	simm.s32 $0x108;
	s8 =	sld [smem:$0x3FB6]  }
0x2e: {  	s3 =	simm.s32 @!p0 $0x1082;
	s9 =	sld [smem:$0x3FB7]  }
0x2f: {  	lr =	sadd.s32 s0, s3;
	s0 =	sld [smem:$0x3FAE]  }
0x30: {  	s3 =	sld [smem:$0x3FB1]  }
0x31: {  	[smem:$0x3FBA] =	sst s10  }
0x32: {  	s10 =	sld [smem:$0x3FB8];
	_ =	sdelay $0x3  }
0x33: {  	p0 =	seq.s32 s10, $0x1;
	s10 =	sld [smem:$0x3FBA];
	_ =	sdelay $0x3  }
0x34: {  	[smem:$0x3FBA] =	sst s10  }
0x35: {  	s10 =	sld [smem:$0x3FB9];
	_ =	sdelay $0x3  }
0x36: {  	p1 =	seq.s32 s10, $0x1;
	s10 =	sld [smem:$0x3FBA];
	_ =	sdelay $0x3  }
0x37: {  	[smem:$0x3FBA] =	sst s10  }
0x38: {  	s10 =	sld [smem:$0x3FBB]  }
0x39: {  	_ = 	snop;
	(pc) =	sbr.ind lr, $3  }
0x3a: {  	_ = 	snop  }
0x3b: {  	_ = 	snop  }
0x3c: {  	p2 =	seq.s32 s10, $0x1;
	s10 =	sld [smem:$0x3FBA]  }
0x3d: {  	_ =	shalt  }
0x3e: {  	_ =	shalt  }
0x3f: {  	_ =	shalt  }
0x40: {  	_ =	shalt  }
0x41: {  	_ =	shalt  }
0x42: {  	_ =	shalt  }
0x43: {  	_ =	shalt  }
0x44: {  	_ =	shalt  }
0x45: {  	_ =	shalt  }
0x46: {  	_ =	shalt  }
0x47: {  	_ =	shalt  }
0x48: {  	_ =	shalt  }
0x49: {  	_ =	shalt  }
0x4a: {  	_ =	shalt  }
0x4b: {  	_ =	shalt  }
0x4c: {  	_ =	shalt  }
0x4d: {  	_ =	shalt  }
0x4e: {  	_ =	shalt  }
0x4f: {  	_ =	shalt  }
0x50: {  	_ =	shalt  }
0x51: {  	_ =	shalt  }
0x52: {  	_ =	shalt  }
0x53: {  	_ =	shalt  }
0x54: {  	_ =	shalt  }
0x55: {  	_ =	shalt  }
0x56: {  	_ =	shalt  }
0x57: {  	_ =	shalt  }
0x58: {  	_ =	shalt  }
0x59: {  	_ =	shalt  }
0x5a: {  	_ =	shalt  }
0x5b: {  	_ =	shalt  }
0x5c: {  	_ =	shalt  }
0x5d: {  	_ =	shalt  }
0x5e: {  	_ =	shalt  }
0x5f: {  	_ =	shalt  }
0x60: {  	_ =	shalt  }
0x61: {  	_ =	shalt  }
0x62: {  	_ =	shalt  }
0x63: {  	_ =	shalt  }
0x64: {  	_ =	shalt  }
0x65: {  	_ =	shalt  }
0x66: {  	_ =	shalt  }
0x67: {  	_ =	shalt  }
0x68: {  	_ =	shalt  }
0x69: {  	_ =	shalt  }
0x6a: {  	_ =	shalt  }
0x6b: {  	_ =	shalt  }
0x6c: {  	_ =	shalt  }
0x6d: {  	_ =	shalt  }
0x6e: {  	_ =	shalt  }
0x6f: {  	_ =	shalt  }
0x70: {  	_ =	shalt  }
0x71: {  	_ =	shalt  }
0x72: {  	_ =	shalt  }
0x73: {  	_ =	shalt  }
0x74: {  	_ =	shalt  }
0x75: {  	_ =	shalt  }
0x76: {  	_ =	shalt  }
0x77: {  	_ =	shalt  }
0x78: {  	_ =	shalt  }
0x79: {  	_ =	shalt  }
0x7a: {  	_ =	shalt  }
0x7b: {  	_ =	shalt  }
0x7c: {  	_ =	shalt  }
0x7d: {  	_ =	shalt  }
0x7e: {  	_ =	shalt  }
0x7f: {  	_ =	shalt  }
0x80: {  	_ =	shalt  }
0x81: {  	_ =	shalt  }
0x82: {  	_ =	shalt  }
0x83: {  	_ =	shalt  }
0x84: {  	_ =	shalt  }
0x85: {  	_ =	shalt  }
0x86: {  	_ =	shalt  }
0x87: {  	_ =	shalt  }
.Lfunc_end0:
.L_simem_size_0:
called_computation.1_lowered:
.L_overlay_start_0:
0x88: {  	s2 =	sld [smem:$0x3FD9]  }
0x89: {  	s3 =	sld [smem:$0x3FFE];
	_ =	sdelay $0x1  }
0x8a: {  	s1 =	srdreg.scid  }
0x8b: {  	s0 =	sand.u32 $0x1, s1  }
0x8c: {  	s17 =	sshll.u32 s0, $0xA;
	s2 =	sadd.s32 s3, s2  }
0x8d: {  	s2 =	sadd.s32 s2, s17  }
0x8e: {  	[smem:$0x3FC6] =	sst s2  }
0x8f: {  	_ = 	snop  }
0x90: {  	s2 =	sld [smem:$0x3FD0];
	(tm) =	ssettm $0x1  }
0x91: {  	s18 =	sld [smem:$0x3FFB];
	_ =	sdelay $0x3  }
0x92: {  	_ =	strace s18  }
0x93: {  	s3 =	sld [smem:$0x3FFC];
	_ =	sdelay $0x3  }
0x94: {  	_ =	strace s3  }
0x95: {  	s3 =	sld [smem:$0x3FFD];
	_ =	sdelay $0x3  }
0x96: {  	_ =	strace s3  }
0x97: {  	_ =	strace $0x8FFFFFFF  }
0x98: {  	s19 =	sld [smem:$0x3FDB];
	_ =	sdelay $0x1  }
0x99: {  	s4 =	simm.s32 $_scs_section_size  }
0x9a: {  	s5 =	simm.s32 $_size__tile_overlayer_lowered;
	s6 =	simm.s32 $_tile_overlayer_lowered  }
0x9b: {  	s22 =	simm.s32 $0x1BFF;
	s21 =	sshll.u32 s6, $0x1;
	s3 =	sadd.s32 s4, s19  }
0x9c: {  	s7 =	simm.s32 $0x0;
	s20 =	sshll.u32 s5, $0x1;
	s5 =	sadd.s32 s21, s3  }
0x9d: {  	[timem:s7], [sflag:s22] =	dma.local [hbm:s5], s20  }
0x9e: {  	_ =	swait.ge [sflag:s22], s20  }
0x9f: {  	s4 =	ssub.s32 $0x0, s20;
	[sflag:s22] =	ssyncset.done $0x0  }
0xa0: {  	[sflag:s22] =	ssyncadd.s32 s4;
	_ =	sdelay $0x1  }
0xa1: {  	s23 =	simm.s32 $0x1B8B  }
0xa2: {  	_ =	swait.ge [sflag:s23], $0x1  }
0xa3: {  	[sflag:s23] =	ssyncset.done $0x0  }
0xa4: {  	s25 =	simm.s32 $0x1B8E;
	s24 =	sld [smem:$0x3FFE];
	[sflag:s23] =	ssyncadd.s32 $0xFFFFFFFF  }
0xa5: {  	s26 =	simm.s32 $execute0_lowered;
	[smem:$0x3FD2] =	sst s25  }
0xa6: {  	s5 =	sshll.u32 s26, $0x1;
	_ =	strace $0x80000049;
	[dreg:$0x1] =	wrdreg $0xFFFFFFFF  }
0xa7: {  	s28 =	simm.s32 $_size_execute0_lowered;
	s3 =	sadd.s32 s3, s5;
	[dreg:$0x0] =	wrdreg $0x0  }
0xa8: {  	s5 =	sshll.u32 s28, $0x1;
	[dreg:$0x2] =	wrdreg s3  }
0xa9: {  	[dreg:$0x3] =	wrdreg s5  }
0xaa: {  	[dreg:$0x4] =	wrdreg $0xC0  }
0xab: {  	_ =	task [dreg:s7], $0x5FFFF  }
0xac: {  	[dreg:$0x1] =	wrdreg $0xFFFFFFFF  }
0xad: {  	[dreg:$0x0] =	wrdreg $0x60  }
0xae: {  	[dreg:$0x2] =	wrdreg s24  }
0xaf: {  	[dreg:$0x3] =	wrdreg s2  }
0xb0: {  	[dreg:$0x4] =	wrdreg $0x9  }
0xb1: {  	_ =	task.clear_ibuf [dreg:s7], $0x5FFFF;
	_ =	strace $0x90000049  }
0xb2: {  	s29 =	simm.s32 $0x9;
	_ =	strace $0x8000004B  }
0xb3: {  	_ =	swait.ge [sflag:s29], $0x1  }
0xb4: {  	[sflag:s29] =	ssyncadd.s32 $0xFFFFFFFF  }
0xb5: {  	_ =	strace $0x9000004B  }
0xb6: {  	_ =	sfence  }
0xb7: {  	s30 =	sld [smem:$0x0];
	_ =	sdelay $0x2  }
0xb8: {  	s31 =	sshll.u32 s1, $0xD;
	s1 =	sshrl.u32 s1, $0x2  }
0xb9: {  	s3 =	sand.u32 $0x4000, s31;
	s1 =	sadd.s32 s1, s30  }
0xba: {  	s0 =	sor.u32 s3, s0;
	s1 =	sshll.u32 s1, $0x11  }
0xbb: {  	s0 =	sor.u32 s1, s0  }
0xbc: {  	s0 =	sadd.s32 $0x8F2B, s0  }
0xbd: {  	[sflag:s0] =	ssyncadd.remote.s32 $0x1  }
0xbe: {  	_ =	sfence.sel $0xFFFF  }
0xbf: {  	[dreg:$0x0] =	wrdreg $0xFFFFFFFF;
	(pc) =	sbr.abs _section_cstart, $3  }
0xc0: {  	[dreg:$0x1] =	wrdreg $0xFFFFFFFF  }
0xc1: {  	_ =	task.clear_ibuf [dreg:s7], $0x2FFFF;
	_ =	strace $0x9FFFFFFF  }
0xc2: {  	(tm) =	ssettm $0x7FFFFFFF  }
0xc3: {  	_ =	shalt  }
tec
execute0_lowered:
.L_overlay_start_1:
0x0: {  	(tag) =	ssettag $0x1  }
0x1: {  	s3 =	rddreg [dreg:$0x0]  }
0x2: {  	s5 =	rddreg [dreg:$0x1];
	s2 =	srdreg.scid  }
0x3: {  	s0 =	rddreg [dreg:$0x2];
	s1 =	stileid.u32;
	s4 =	sand.u32 $0x1, s2  }
0x4: {  	s2 =	simm.s32 $0x0;
	s6 =	sshll.u32 s1, $0xA;
	s7 =	sshll.u32 s4, $0x9  }
0x5: {  	[smem:$0x7FF] =	sst s2;
	s4 =	ssub.s32 $0x2, s4;
	s6 =	sor.u32 s7, s6  }
0x6: {  	_ =	strace $0x8000004A;
	s8 =	sshrl.u32 s4, $0x1;
	s7 =	sshll.u32 s6, $0x4  }
0x7: {  	s4 =	ssub.s32 s4, s8;
	s6 =	sshrl.u32 s6, $0x3;
	s8 =	simm.s32 $0x0  }
0x8: {  	v0 =	vlaneseq.u32;
	s3 =	sadd.s32 s7, s3;
	s4 =	smax.u32 s4, $0x1;
	s5 =	sadd.s32 s6, s5  }
0x9: {  	v0 =	vmul.u32 $0x80, v0;
	s6 =	simm.s32 $0x2;
	s7 =	simm.s32 $0x1;
	s3 =	sadd.s32 $0x800, s3  }
.LBB2_1:
0xa: {  	s9 =	simm.s32 $0x0  }
0xb: {  	s10 =	sand.u32 $0x1F0, s2;
	v1 =	vmov s9  }
0xc: {  	v2 =	vmov s10;
	v1 =	vand.u32 $0x7F, v1  }
0xd: {  	v2 =	vshll.u32 v2, $0x7;
	v1 =	vbroadcast v1, $0x0  }
0xe: {  	v2 =	vor.u32 v0, v2  }
0xf: {  	[tilespmem:s2], [sflag:$0x2] =	stream.linear.gather [hbm4b:s3+s2], $0x10000, $0x38;
	v1 =	vor.u32 v1, v2;
	[tilespmem:$0x18000] =	vst v63  }
0x10: {  	s31 =	simm.s32 $0x10;
	s11 =	simm.s32 $0x0  }
0x11: {  	_ =	swait.ge [sflag:s6], $0x10000;
	s9 =	sand.u32 $0x1F0, s31;
	v2 =	vmov s11  }
0x12: {  	[sflag:s6] =	ssyncset.done $0x0;
	v3 =	vmov s9;
	v2 =	vand.u32 $0x7F, v2  }
0x13: {  	[sflag:s6] =	ssyncadd.s32 $0xFFFF0000;
	v3 =	vshll.u32 v3, $0x7;
	v4 =	vbroadcast v2, $0x0  }
0x14: {  	v3 =	vor.u32 v0, v3;
	v2 =	vld.idx.msk [tilespmem:v1+s2+$0x0], $0xffff  }
0x15: {  	s12 =	simm.s32 $0x1;
	v1 =	vor.u32 v4, v3  }
0x16: {  	s13 =	simm.s32 $0x20;
	s14 =	simm.s32 $0x0;
	s16 =	simm.s32 $0x0  }
0x17: {  	s15 =	simm.s32 $0x3;
	s17 =	sand.u32 $0x3FFFFE00, s14;
	s11 =	simm.s32 $0x2  }
.LBB2_2:
0x18: {  	p0 =	sne.s32 s15, $0x7FF;
	s18 =	sand.u32 $0x1F0, s13;
	v3 =	vmov s16;
	s10 =	sor.u32 s10, s17  }
0x19: {  	s14 =	simm.s32 $0x0;
	v4 =	vmov s18;
	v3 =	vand.u32 $0x7F, v3;
	[tilespmem:s10+$0x10000] =	vst v2;
	s10 =	smov.u32 s9;
	s9 =	smov.u32 s18  }
.Ltmp0:
0x1a: {  	s16 =	smov.u32 s11;
	s11 =	smov.u32 s15;
	v4 =	vshll.u32 v4, $0x7;
	v3 =	vbroadcast v3, $0x0;
	v2 =	vld.idx.msk [tilespmem:v1+s14+$0x0], $0xffff;
	(pc) =	sbr.rel @p0 .LBB2_2-.Ltmp0, $4  }
0x1b: {  	v1 =	vor.u32 v0, v4  }
0x1c: {  	v1 =	vor.u32 v3, v1  }
0x1d: {  	s13 =	sadd.s32 $0x10, s13;
	s17 =	sshll.u32 s12, $0x4;
	s12 =	smov.u32 s16  }
0x1e: {  	s15 =	sadd.s32 $0x1, s15;
	s16 =	sshrl.u32 s11, $0x5;
	s17 =	sand.u32 $0x3FFFFE00, s17  }
0x1f: {  	_ = 	snop  }
0x20: {  	s13 =	sand.u32 $0x1F0, s13;
	v3 =	vmov s16  }
0x21: {  	s10 =	sor.u32 s10, s17;
	v4 =	vmov s13;
	v3 =	vand.u32 $0x7F, v3  }
0x22: {  	[tilespmem:s10+$0x10000] =	vst v2;
	v2 =	vshll.u32 v4, $0x7;
	v3 =	vbroadcast v3, $0x0  }
0x23: {  	v1 =	vld.idx.msk [tilespmem:v1+s14+$0x0], $0xffff;
	v2 =	vor.u32 v0, v2  }
0x24: {  	v2 =	vor.u32 v3, v2  }
0x25: {  	s30 =	sshll.u32 s12, $0x4  }
0x26: {  	s10 =	sand.u32 $0x3FFFFE00, s30  }
0x27: {  	s9 =	sor.u32 s9, s10  }
0x28: {  	[tilespmem:s9+$0x10000] =	vst v1  }
0x29: {  	p0 =	por $0x1, $0x1;
	v1 =	vld.idx.msk [tilespmem:v2+s14+$0x0], $0xffff  }
.Ltmp1:
0x2a: {  	_ = 	snop;
	(pc) =	sbr.rel @!p0 .LBB2_5-.Ltmp1, $4  }
0x2b: {  	s31 =	sshll.u32 s11, $0x4  }
0x2c: {  	s9 =	sand.u32 $0x3FFFFE00, s31  }
0x2d: {  	s9 =	sor.u32 s13, s9  }
0x2e: {  	s11 =	simm.s32 $0x10000;
	s10 =	sadd.s32 $0x0, s5;
	[tilespmem:s9+$0x10000] =	vst v1;
	s9 =	simm.s32 $0x800  }
.LBB2_4:
0x2f: {  	[hbm4b:s10+s2] =	stream.linear.scatter [tilespmem:s11], [sflag:$0x1], $0x200, $0x38;
	[tilespmem:$0x18000] =	vst v63  }
0x30: {  	s10 =	smov.u32 s9;
	p0 =	sne.s32 s9, $0x1F800  }
.Ltmp2:
0x31: {  	s9 =	sadd.s32 $0x800, s9;
	(pc) =	sbr.rel @p0 .LBB2_4-.Ltmp2, $3  }
0x32: {  	_ =	sdelay $0x1  }
0x33: {  	s11 =	sshra.s32 s10, $0x2  }
0x34: {  	s10 =	sadd.s32 s10, s5;
	s11 =	sadd.s32 $0x10000, s11  }
.LBB2_5:
0x35: {  	s8 =	sadd.s32 $0x1, s8  }
0x36: {  	p0 =	sne.s32 s8, s4  }
.Ltmp3:
0x37: {  	_ = 	snop;
	(pc) =	sbr.rel @p0 .LBB2_1-.Ltmp3, $4  }
0x38: {  	[hbm4b:s10+s2] =	stream.linear.scatter [tilespmem:s11], [sflag:$0x1], $0x200, $0x38;
	[tilespmem:$0x18000] =	vst v63  }
0x39: {  	_ =	swait.ge [sflag:s7], $0x8000  }
0x3a: {  	[sflag:s7] =	ssyncset.done $0x0  }
0x3b: {  	[sflag:s7] =	ssyncadd.s32 $0xFFFF8000  }
0x3c: {  	_ =	sfence.sel $0x180000  }
0x3d: {  	[bflag:$0x0] =	sbarrier.arrive $0xFFFF  }
0x3e: {  	p0 =	sne.s32 s1, $0x0;
	_ =	strace $0x9000004A  }
0x3f: {  	s0 =	sadd.s32 @!p0 $0x100000, s0;
	[bflag:$0x2] =	sbarrier.arrive $0xFFFF  }
0x40: {  	[sflag:s0] =	ssyncadd.tile.s32 @!p0 $0x1;
	_ =	shalt  }
.Lfunc_end2:
_tile_overlayer_lowered:
.L_overlay_start_2:
0x41: {  	(tag) =	ssettag $0x2  }
0x42: {  	s0 =	rddreg [dreg:$0x0];
	s2 =	stileid.u32  }
0x43: {  	s1 =	rddreg [dreg:$0x1];
	p0 =	sne.s32 s2, $0x0  }
0x44: {  	s3 =	rddreg [dreg:$0x2];
	[bflag:$0x3] =	sbarrier.arrive $0xFFFF;
	s2 =	simm.s32 @!p0 $0x1C02  }
0x45: {  	[timem:s3], [sflag:s2] =	dma.local @!p0 [hbm:s0], s1  }
0x46: {  	s0 =	simm.s32 @!p0 $0x2  }
0x47: {  	_ =	swait.ge @!p0 [sflag:s0], s1  }
0x48: {  	s1 =	ssub.s32 @!p0 $0x0, s1;
	[sflag:s0] =	ssyncset.done @!p0 $0x0  }
0x49: {  	[sflag:s0] =	ssyncadd.s32 @!p0 s1  }
0x4a: {  	[bflag:$0x3] =	sbarrier.arrive $0xFFFF  }
0x4b: {  	_ =	shalt  }

</sc_bundles>
